<compile_context>
chip_gen: v7x
topology: tpu7x:2x2x1
jax: 0.10.2.dev20260603
libtpu: 0.0.44.dev20260713+nightly
codegen_flags: <defaults>
</compile_context>

<pallas_src>
import functools

import jax
import jax.numpy as jnp
from jax import lax
from jax.experimental import pallas as pl
from jax.experimental.pallas import tpu as pltpu
from jax.experimental.pallas import tpu_sc as plsc

VOCAB_DIM = 64
NC, NS = 2, 16
NW = NC * NS
IDXW = 128
K = 5
CHUNK = K * IDXW
NBUF = 2


def _make_sc_gather(n_rows: int):
    b_per_w = n_rows // NW
    n_chunks = b_per_w // CHUNK
    n_pairs = n_chunks // NBUF
    idx_rows_per_w = b_per_w // IDXW

    mesh = plsc.VectorSubcoreMesh(core_axis_name="c", subcore_axis_name="s")

    @functools.partial(
        pl.kernel,
        mesh=mesh,
        out_type=jax.ShapeDtypeStruct((n_rows, 2 * VOCAB_DIM), jnp.float32),
        compiler_params=pltpu.CompilerParams(use_tc_tiling_on_sc=False),
        scratch_types=[
            pltpu.VMEM((NBUF, K, IDXW), jnp.int32),
            pltpu.VMEM((NBUF, CHUNK, VOCAB_DIM), jnp.float32),
            pltpu.SemaphoreType.DMA,
            pltpu.SemaphoreType.DMA,
            pltpu.SemaphoreType.DMA,
        ],
    )
    def sc_gather(ids_hbm, table_hbm, out_hbm, idx_v, rows_v, gsem, wsem0, wsem1):
        wid = lax.axis_index("s") * NC + lax.axis_index("c")
        idx_row0 = wid * idx_rows_per_w
        base0 = wid * b_per_w
        wsems = (wsem0, wsem1)

        def chunk(i, b, wait_writeback):
            rows_b = rows_v.at[b]
            idx_b = idx_v.at[b]
            if wait_writeback:
                pltpu.make_async_copy(
                    rows_b,
                    out_hbm.at[pl.ds(0, CHUNK), pl.ds(0, VOCAB_DIM)],
                    wsems[b],
                ).wait()
            pltpu.sync_copy(ids_hbm.at[pl.ds(idx_row0 + i * K, K), :], idx_b)
            copies = [
                pltpu.async_copy(
                    table_hbm.at[idx_b.at[j]],
                    rows_b.at[pl.ds(j * IDXW, IDXW), :],
                    gsem,
                )
                for j in range(K)
            ]
            for c in copies:
                c.wait()
            pltpu.async_copy(
                rows_b,
                out_hbm.at[pl.ds(base0 + i * CHUNK, CHUNK), pl.ds(0, VOCAB_DIM)],
                wsems[b],
            )

        for b in range(NBUF):
            chunk(b, b, wait_writeback=False)

        def pair_body(p, _):
            for b in range(NBUF):
                chunk(p * NBUF + b, b, wait_writeback=True)
            return 0

        lax.fori_loop(1, n_pairs, pair_body, 0)

        for b in range(NBUF):
            pltpu.make_async_copy(
                rows_v.at[b],
                out_hbm.at[pl.ds(0, CHUNK), pl.ds(0, VOCAB_DIM)],
                wsems[b],
            ).wait()

    return sc_gather


def kernel(input_ids, table):
    batch, seq = input_ids.shape
    n_rows = batch * seq
    ids = input_ids.reshape(n_rows // IDXW, IDXW).astype(jnp.int32)
    out = _make_sc_gather(n_rows)(ids, table)
    return out[:, :VOCAB_DIM].reshape(batch, seq, VOCAB_DIM)

# --- scband reference (transcript-rebuilt; emitter-appended) ---
"""Pipeline reference for scband-embed-tokens-wrapper-34943853920309 (READ-ONLY COPY).

The authoritative reference and input builder live on the scoring server;
editing this copy changes nothing except your own understanding.
"""

import jax, jax.numpy as jnp
import numpy as np

VOCAB = 1000000
EMBED_DIM = 64
BATCH = 4096
SEQ = 200

def setup_inputs(seed: int = 0) -> dict:
    key = jax.random.key(seed)
    k_idx, k_tab = jax.random.split(key)
    input_ids = jax.random.randint(k_idx, (BATCH, SEQ), 0, VOCAB, dtype=jnp.int64 if jax.config.jax_enable_x64 else jnp.int32)
    table = jax.random.normal(k_tab, (VOCAB, EMBED_DIM), dtype=jnp.float32) * 0.02
    return {"input_ids": input_ids, "table": table}

def reference(input_ids, table):
    # EmbedTokensWrapper.forward: embed_tokens(input_ids) -> table gather
    return jnp.take(table, input_ids, axis=0)

if __name__ == "__main__":
    import jax
    _d = setup_inputs()
    print(jax.jit(kernel)(*tuple(_d.values())))

</pallas_src>

<mosaic_0001>
#map = affine_map<(d0, d1) -> (0, 0)>
module attributes {stable_mosaic.version = 14 : i64} {
  func.func @sc_gather(%arg0: i32, %arg1: i32, %arg2: memref<6400x128xi32, #tpu.memory_space<hbm>>, %arg3: memref<1000000x64xf32, #tpu.memory_space<hbm>>, %arg4: memref<819200x128xf32, #tpu.memory_space<hbm>>, %arg5: memref<2x5x128xi32, #tpu.memory_space<vmem>>, %arg6: memref<2x640x64xf32, #tpu.memory_space<vmem>>, %arg7: memref<!tpu.dma_semaphore, #tpu.memory_space<semaphore_mem>>, %arg8: memref<!tpu.dma_semaphore, #tpu.memory_space<semaphore_mem>>, %arg9: memref<!tpu.dma_semaphore, #tpu.memory_space<semaphore_mem>>) attributes {dimension_semantics = [#tpu.dimension_semantics<core_parallel>, #tpu.dimension_semantics<subcore_parallel>], iteration_bounds = array<i64: 2, 16>, scalar_prefetch = 0 : i64, scratch_operands = 5 : i64, tpu.core_type = #tpu.core_type<sc_vector_subcore>, window_params = [{transform_indices = #map}, {transform_indices = #map}, {transform_indices = #map}]} {
    %mul3A = arith.constant 2 : i32
    %mul3A_0 = arith.muli %arg1, %mul3A : i32
    %add3A = arith.addi %mul3A_0, %arg0 : i32
    %mul3A_1 = arith.constant 200 : i32
    %mul3A_2 = arith.muli %add3A, %mul3A_1 : i32
    %mul3A_3 = arith.constant 25600 : i32
    %mul3A_4 = arith.muli %add3A, %mul3A_3 : i32
    %add3A_5 = arith.constant 0 : i32
    %add3A_6 = arith.addi %mul3A_2, %add3A_5 : i32
    %run_scoped3A = arith.constant 0 : i32
    "tpu.region"() ({
      %run_scoped3A_474 = tpu.sem_alloc : memref<!tpu.dma_semaphore, #tpu.memory_space<semaphore_mem>>
      %dma_start3A_475 = arith.constant 0 : i32
      %dma_start3A_476 = arith.constant 0 : i32
      %dma_start3A_477 = tpu.memref_slice %arg5[%run_scoped3A, %dma_start3A_475, %dma_start3A_476] : memref<2x5x128xi32, #tpu.memory_space<vmem>> -> memref<1x5x128xi32, #tpu.memory_space<vmem>>
      %dma_start3A_478 = tpu.memref_squeeze %dma_start3A_477 : memref<1x5x128xi32, #tpu.memory_space<vmem>> -> memref<5x128xi32, #tpu.memory_space<vmem>>
      %dma_start3A_479 = arith.constant 0 : i32
      %dma_start3A_480 = tpu.memref_slice %arg2[%add3A_6, %dma_start3A_479] : memref<6400x128xi32, #tpu.memory_space<hbm>> -> memref<5x128xi32, #tpu.memory_space<hbm>>
      %dma_start3A_481 = arith.constant 0 : i32
      %dma_start3A_482 = arith.constant 0 : i32
      %dma_start3A_483 = tpu.memref_slice %arg5[%run_scoped3A, %dma_start3A_481, %dma_start3A_482] : memref<2x5x128xi32, #tpu.memory_space<vmem>> -> memref<1x5x128xi32, #tpu.memory_space<vmem>>
      %dma_start3A_484 = tpu.memref_squeeze %dma_start3A_483 : memref<1x5x128xi32, #tpu.memory_space<vmem>> -> memref<5x128xi32, #tpu.memory_space<vmem>>
      %dma_start3A_485 = arith.constant 0 : i32
      %dma_start3A_486 = tpu.memref_slice %arg2[%add3A_6, %dma_start3A_485] : memref<6400x128xi32, #tpu.memory_space<hbm>> -> memref<5x128xi32, #tpu.memory_space<hbm>>
      tpu.enqueue_dma source(%dma_start3A_486 : memref<5x128xi32, #tpu.memory_space<hbm>>) target(%dma_start3A_484 : memref<5x128xi32, #tpu.memory_space<vmem>>) target_semaphore(%run_scoped3A_474 : memref<!tpu.dma_semaphore, #tpu.memory_space<semaphore_mem>>)
      %dma_wait3A_487 = arith.constant 0 : i32
      %dma_wait3A_488 = arith.constant 0 : i32
      %dma_wait3A_489 = tpu.memref_slice %arg5[%run_scoped3A, %dma_wait3A_487, %dma_wait3A_488] : memref<2x5x128xi32, #tpu.memory_space<vmem>> -> memref<1x5x128xi32, #tpu.memory_space<vmem>>
      %dma_wait3A_490 = tpu.memref_squeeze %dma_wait3A_489 : memref<1x5x128xi32, #tpu.memory_space<vmem>> -> memref<5x128xi32, #tpu.memory_space<vmem>>
      %dma_wait3A_491 = arith.constant 0 : i32
      %dma_wait3A_492 = tpu.memref_slice %arg2[%add3A_6, %dma_wait3A_491] : memref<6400x128xi32, #tpu.memory_space<hbm>> -> memref<5x128xi32, #tpu.memory_space<hbm>>
      %dma_wait3A_493 = arith.constant 0 : i32
      %dma_wait3A_494 = arith.constant 0 : i32
      %dma_wait3A_495 = tpu.memref_slice %arg5[%run_scoped3A, %dma_wait3A_493, %dma_wait3A_494] : memref<2x5x128xi32, #tpu.memory_space<vmem>> -> memref<1x5x128xi32, #tpu.memory_space<vmem>>
      %dma_wait3A_496 = tpu.memref_squeeze %dma_wait3A_495 : memref<1x5x128xi32, #tpu.memory_space<vmem>> -> memref<5x128xi32, #tpu.memory_space<vmem>>
      %dma_wait3A_497 = arith.constant 0 : i32
      %dma_wait3A_498 = tpu.memref_slice %arg2[%add3A_6, %dma_wait3A_497] : memref<6400x128xi32, #tpu.memory_space<hbm>> -> memref<5x128xi32, #tpu.memory_space<hbm>>
      tpu.wait_dma2 semaphore(%run_scoped3A_474 : memref<!tpu.dma_semaphore, #tpu.memory_space<semaphore_mem>>) src(%dma_wait3A_498 : memref<5x128xi32, #tpu.memory_space<hbm>>) dst(%dma_wait3A_496 : memref<5x128xi32, #tpu.memory_space<vmem>>)
      tpu.yield
    }) : () -> ()
    %dma_start3A = arith.constant 0 : i32
    %dma_start3A_7 = arith.constant 0 : i32
    %dma_start3A_8 = arith.constant 0 : i32
    %dma_start3A_9 = arith.constant 0 : i32
    %dma_start3A_10 = arith.constant 0 : i32
    %dma_start3A_11 = tpu.memref_slice %arg6[%dma_start3A_8, %dma_start3A_9, %dma_start3A_10] : memref<2x640x64xf32, #tpu.memory_space<vmem>> -> memref<1x640x64xf32, #tpu.memory_space<vmem>>
    %dma_start3A_12 = tpu.memref_squeeze %dma_start3A_11 : memref<1x640x64xf32, #tpu.memory_space<vmem>> -> memref<640x64xf32, #tpu.memory_space<vmem>>
    %dma_start3A_13 = arith.constant 0 : i32
    %dma_start3A_14 = arith.constant 0 : i32
    %dma_start3A_15 = tpu.memref_slice %dma_start3A_12[%dma_start3A_13, %dma_start3A_14] : memref<640x64xf32, #tpu.memory_space<vmem>> -> memref<128x64xf32, #tpu.memory_space<vmem>>
    %dma_start3A_16 = arith.constant 0 : i32
    %dma_start3A_17 = arith.constant 0 : i32
    %dma_start3A_18 = tpu.memref_slice %arg5[%dma_start3A, %dma_start3A_16, %dma_start3A_17] : memref<2x5x128xi32, #tpu.memory_space<vmem>> -> memref<1x5x128xi32, #tpu.memory_space<vmem>>
    %dma_start3A_19 = tpu.memref_squeeze %dma_start3A_18 : memref<1x5x128xi32, #tpu.memory_space<vmem>> -> memref<5x128xi32, #tpu.memory_space<vmem>>
    %dma_start3A_20 = arith.constant 0 : i32
    %dma_start3A_21 = tpu.memref_slice %dma_start3A_19[%dma_start3A_7, %dma_start3A_20] : memref<5x128xi32, #tpu.memory_space<vmem>> -> memref<1x128xi32, #tpu.memory_space<vmem>>
    %dma_start3A_22 = tpu.memref_squeeze %dma_start3A_21 : memref<1x128xi32, #tpu.memory_space<vmem>> -> memref<128xi32, #tpu.memory_space<vmem>>
    %dma_start3A_23 = arith.constant 0 : i32
    %dma_start3A_24 = arith.constant 0 : i32
    %dma_start3A_25 = tpu.memref_slice %arg3[%dma_start3A_23, %dma_start3A_24] : memref<1000000x64xf32, #tpu.memory_space<hbm>> -> memref<1000000x64xf32, #tpu.memory_space<hbm>>
    tpu.enqueue_indirect_dma source(%dma_start3A_25 : memref<1000000x64xf32, #tpu.memory_space<hbm>>) target(%dma_start3A_15 : memref<128x64xf32, #tpu.memory_space<vmem>>) offsets(%dma_start3A_22 : memref<128xi32, #tpu.memory_space<vmem>>) semaphore(%arg7 : memref<!tpu.dma_semaphore, #tpu.memory_space<semaphore_mem>>)
    %dma_start3A_26 = arith.constant 0 : i32
    %dma_start3A_27 = arith.constant 1 : i32
    %dma_start3A_28 = arith.constant 0 : i32
    %dma_start3A_29 = arith.constant 0 : i32
    %dma_start3A_30 = arith.constant 0 : i32
    %dma_start3A_31 = tpu.memref_slice %arg6[%dma_start3A_28, %dma_start3A_29, %dma_start3A_30] : memref<2x640x64xf32, #tpu.memory_space<vmem>> -> memref<1x640x64xf32, #tpu.memory_space<vmem>>
    %dma_start3A_32 = tpu.memref_squeeze %dma_start3A_31 : memref<1x640x64xf32, #tpu.memory_space<vmem>> -> memref<640x64xf32, #tpu.memory_space<vmem>>
    %dma_start3A_33 = arith.constant 128 : i32
    %dma_start3A_34 = arith.constant 0 : i32
    %dma_start3A_35 = tpu.memref_slice %dma_start3A_32[%dma_start3A_33, %dma_start3A_34] : memref<640x64xf32, #tpu.memory_space<vmem>> -> memref<128x64xf32, #tpu.memory_space<vmem>>
    %dma_start3A_36 = arith.constant 0 : i32
    %dma_start3A_37 = arith.constant 0 : i32
    %dma_start3A_38 = tpu.memref_slice %arg5[%dma_start3A_26, %dma_start3A_36, %dma_start3A_37] : memref<2x5x128xi32, #tpu.memory_space<vmem>> -> memref<1x5x128xi32, #tpu.memory_space<vmem>>
    %dma_start3A_39 = tpu.memref_squeeze %dma_start3A_38 : memref<1x5x128xi32, #tpu.memory_space<vmem>> -> memref<5x128xi32, #tpu.memory_space<vmem>>
    %dma_start3A_40 = arith.constant 0 : i32
    %dma_start3A_41 = tpu.memref_slice %dma_start3A_39[%dma_start3A_27, %dma_start3A_40] : memref<5x128xi32, #tpu.memory_space<vmem>> -> memref<1x128xi32, #tpu.memory_space<vmem>>
    %dma_start3A_42 = tpu.memref_squeeze %dma_start3A_41 : memref<1x128xi32, #tpu.memory_space<vmem>> -> memref<128xi32, #tpu.memory_space<vmem>>
    %dma_start3A_43 = arith.constant 0 : i32
    %dma_start3A_44 = arith.constant 0 : i32
    %dma_start3A_45 = tpu.memref_slice %arg3[%dma_start3A_43, %dma_start3A_44] : memref<1000000x64xf32, #tpu.memory_space<hbm>> -> memref<1000000x64xf32, #tpu.memory_space<hbm>>
    tpu.enqueue_indirect_dma source(%dma_start3A_45 : memref<1000000x64xf32, #tpu.memory_space<hbm>>) target(%dma_start3A_35 : memref<128x64xf32, #tpu.memory_space<vmem>>) offsets(%dma_start3A_42 : memref<128xi32, #tpu.memory_space<vmem>>) semaphore(%arg7 : memref<!tpu.dma_semaphore, #tpu.memory_space<semaphore_mem>>)
    %dma_start3A_46 = arith.constant 0 : i32
    %dma_start3A_47 = arith.constant 2 : i32
    %dma_start3A_48 = arith.constant 0 : i32
    %dma_start3A_49 = arith.constant 0 : i32
    %dma_start3A_50 = arith.constant 0 : i32
    %dma_start3A_51 = tpu.memref_slice %arg6[%dma_start3A_48, %dma_start3A_49, %dma_start3A_50] : memref<2x640x64xf32, #tpu.memory_space<vmem>> -> memref<1x640x64xf32, #tpu.memory_space<vmem>>
    %dma_start3A_52 = tpu.memref_squeeze %dma_start3A_51 : memref<1x640x64xf32, #tpu.memory_space<vmem>> -> memref<640x64xf32, #tpu.memory_space<vmem>>
    %dma_start3A_53 = arith.constant 256 : i32
    %dma_start3A_54 = arith.constant 0 : i32
    %dma_start3A_55 = tpu.memref_slice %dma_start3A_52[%dma_start3A_53, %dma_start3A_54] : memref<640x64xf32, #tpu.memory_space<vmem>> -> memref<128x64xf32, #tpu.memory_space<vmem>>
    %dma_start3A_56 = arith.constant 0 : i32
    %dma_start3A_57 = arith.constant 0 : i32
    %dma_start3A_58 = tpu.memref_slice %arg5[%dma_start3A_46, %dma_start3A_56, %dma_start3A_57] : memref<2x5x128xi32, #tpu.memory_space<vmem>> -> memref<1x5x128xi32, #tpu.memory_space<vmem>>
    %dma_start3A_59 = tpu.memref_squeeze %dma_start3A_58 : memref<1x5x128xi32, #tpu.memory_space<vmem>> -> memref<5x128xi32, #tpu.memory_space<vmem>>
    %dma_start3A_60 = arith.constant 0 : i32
    %dma_start3A_61 = tpu.memref_slice %dma_start3A_59[%dma_start3A_47, %dma_start3A_60] : memref<5x128xi32, #tpu.memory_space<vmem>> -> memref<1x128xi32, #tpu.memory_space<vmem>>
    %dma_start3A_62 = tpu.memref_squeeze %dma_start3A_61 : memref<1x128xi32, #tpu.memory_space<vmem>> -> memref<128xi32, #tpu.memory_space<vmem>>
    %dma_start3A_63 = arith.constant 0 : i32
    %dma_start3A_64 = arith.constant 0 : i32
    %dma_start3A_65 = tpu.memref_slice %arg3[%dma_start3A_63, %dma_start3A_64] : memref<1000000x64xf32, #tpu.memory_space<hbm>> -> memref<1000000x64xf32, #tpu.memory_space<hbm>>
    tpu.enqueue_indirect_dma source(%dma_start3A_65 : memref<1000000x64xf32, #tpu.memory_space<hbm>>) target(%dma_start3A_55 : memref<128x64xf32, #tpu.memory_space<vmem>>) offsets(%dma_start3A_62 : memref<128xi32, #tpu.memory_space<vmem>>) semaphore(%arg7 : memref<!tpu.dma_semaphore, #tpu.memory_space<semaphore_mem>>)
    %dma_start3A_66 = arith.constant 0 : i32
    %dma_start3A_67 = arith.constant 3 : i32
    %dma_start3A_68 = arith.constant 0 : i32
    %dma_start3A_69 = arith.constant 0 : i32
    %dma_start3A_70 = arith.constant 0 : i32
    %dma_start3A_71 = tpu.memref_slice %arg6[%dma_start3A_68, %dma_start3A_69, %dma_start3A_70] : memref<2x640x64xf32, #tpu.memory_space<vmem>> -> memref<1x640x64xf32, #tpu.memory_space<vmem>>
    %dma_start3A_72 = tpu.memref_squeeze %dma_start3A_71 : memref<1x640x64xf32, #tpu.memory_space<vmem>> -> memref<640x64xf32, #tpu.memory_space<vmem>>
    %dma_start3A_73 = arith.constant 384 : i32
    %dma_start3A_74 = arith.constant 0 : i32
    %dma_start3A_75 = tpu.memref_slice %dma_start3A_72[%dma_start3A_73, %dma_start3A_74] : memref<640x64xf32, #tpu.memory_space<vmem>> -> memref<128x64xf32, #tpu.memory_space<vmem>>
    %dma_start3A_76 = arith.constant 0 : i32
    %dma_start3A_77 = arith.constant 0 : i32
    %dma_start3A_78 = tpu.memref_slice %arg5[%dma_start3A_66, %dma_start3A_76, %dma_start3A_77] : memref<2x5x128xi32, #tpu.memory_space<vmem>> -> memref<1x5x128xi32, #tpu.memory_space<vmem>>
    %dma_start3A_79 = tpu.memref_squeeze %dma_start3A_78 : memref<1x5x128xi32, #tpu.memory_space<vmem>> -> memref<5x128xi32, #tpu.memory_space<vmem>>
    %dma_start3A_80 = arith.constant 0 : i32
    %dma_start3A_81 = tpu.memref_slice %dma_start3A_79[%dma_start3A_67, %dma_start3A_80] : memref<5x128xi32, #tpu.memory_space<vmem>> -> memref<1x128xi32, #tpu.memory_space<vmem>>
    %dma_start3A_82 = tpu.memref_squeeze %dma_start3A_81 : memref<1x128xi32, #tpu.memory_space<vmem>> -> memref<128xi32, #tpu.memory_space<vmem>>
    %dma_start3A_83 = arith.constant 0 : i32
    %dma_start3A_84 = arith.constant 0 : i32
    %dma_start3A_85 = tpu.memref_slice %arg3[%dma_start3A_83, %dma_start3A_84] : memref<1000000x64xf32, #tpu.memory_space<hbm>> -> memref<1000000x64xf32, #tpu.memory_space<hbm>>
    tpu.enqueue_indirect_dma source(%dma_start3A_85 : memref<1000000x64xf32, #tpu.memory_space<hbm>>) target(%dma_start3A_75 : memref<128x64xf32, #tpu.memory_space<vmem>>) offsets(%dma_start3A_82 : memref<128xi32, #tpu.memory_space<vmem>>) semaphore(%arg7 : memref<!tpu.dma_semaphore, #tpu.memory_space<semaphore_mem>>)
    %dma_start3A_86 = arith.constant 0 : i32
    %dma_start3A_87 = arith.constant 4 : i32
    %dma_start3A_88 = arith.constant 0 : i32
    %dma_start3A_89 = arith.constant 0 : i32
    %dma_start3A_90 = arith.constant 0 : i32
    %dma_start3A_91 = tpu.memref_slice %arg6[%dma_start3A_88, %dma_start3A_89, %dma_start3A_90] : memref<2x640x64xf32, #tpu.memory_space<vmem>> -> memref<1x640x64xf32, #tpu.memory_space<vmem>>
    %dma_start3A_92 = tpu.memref_squeeze %dma_start3A_91 : memref<1x640x64xf32, #tpu.memory_space<vmem>> -> memref<640x64xf32, #tpu.memory_space<vmem>>
    %dma_start3A_93 = arith.constant 512 : i32
    %dma_start3A_94 = arith.constant 0 : i32
    %dma_start3A_95 = tpu.memref_slice %dma_start3A_92[%dma_start3A_93, %dma_start3A_94] : memref<640x64xf32, #tpu.memory_space<vmem>> -> memref<128x64xf32, #tpu.memory_space<vmem>>
    %dma_start3A_96 = arith.constant 0 : i32
    %dma_start3A_97 = arith.constant 0 : i32
    %dma_start3A_98 = tpu.memref_slice %arg5[%dma_start3A_86, %dma_start3A_96, %dma_start3A_97] : memref<2x5x128xi32, #tpu.memory_space<vmem>> -> memref<1x5x128xi32, #tpu.memory_space<vmem>>
    %dma_start3A_99 = tpu.memref_squeeze %dma_start3A_98 : memref<1x5x128xi32, #tpu.memory_space<vmem>> -> memref<5x128xi32, #tpu.memory_space<vmem>>
    %dma_start3A_100 = arith.constant 0 : i32
    %dma_start3A_101 = tpu.memref_slice %dma_start3A_99[%dma_start3A_87, %dma_start3A_100] : memref<5x128xi32, #tpu.memory_space<vmem>> -> memref<1x128xi32, #tpu.memory_space<vmem>>
    %dma_start3A_102 = tpu.memref_squeeze %dma_start3A_101 : memref<1x128xi32, #tpu.memory_space<vmem>> -> memref<128xi32, #tpu.memory_space<vmem>>
    %dma_start3A_103 = arith.constant 0 : i32
    %dma_start3A_104 = arith.constant 0 : i32
    %dma_start3A_105 = tpu.memref_slice %arg3[%dma_start3A_103, %dma_start3A_104] : memref<1000000x64xf32, #tpu.memory_space<hbm>> -> memref<1000000x64xf32, #tpu.memory_space<hbm>>
    tpu.enqueue_indirect_dma source(%dma_start3A_105 : memref<1000000x64xf32, #tpu.memory_space<hbm>>) target(%dma_start3A_95 : memref<128x64xf32, #tpu.memory_space<vmem>>) offsets(%dma_start3A_102 : memref<128xi32, #tpu.memory_space<vmem>>) semaphore(%arg7 : memref<!tpu.dma_semaphore, #tpu.memory_space<semaphore_mem>>)
    %dma_wait3A = arith.constant 0 : i32
    %dma_wait3A_106 = arith.constant 0 : i32
    %dma_wait3A_107 = arith.constant 0 : i32
    %dma_wait3A_108 = arith.constant 0 : i32
    %dma_wait3A_109 = arith.constant 0 : i32
    %dma_wait3A_110 = tpu.memref_slice %arg6[%dma_wait3A_107, %dma_wait3A_108, %dma_wait3A_109] : memref<2x640x64xf32, #tpu.memory_space<vmem>> -> memref<1x640x64xf32, #tpu.memory_space<vmem>>
    %dma_wait3A_111 = tpu.memref_squeeze %dma_wait3A_110 : memref<1x640x64xf32, #tpu.memory_space<vmem>> -> memref<640x64xf32, #tpu.memory_space<vmem>>
    %dma_wait3A_112 = arith.constant 0 : i32
    %dma_wait3A_113 = arith.constant 0 : i32
    %dma_wait3A_114 = tpu.memref_slice %dma_wait3A_111[%dma_wait3A_112, %dma_wait3A_113] : memref<640x64xf32, #tpu.memory_space<vmem>> -> memref<128x64xf32, #tpu.memory_space<vmem>>
    %dma_wait3A_115 = arith.constant 0 : i32
    %dma_wait3A_116 = arith.constant 0 : i32
    %dma_wait3A_117 = tpu.memref_slice %arg5[%dma_wait3A, %dma_wait3A_115, %dma_wait3A_116] : memref<2x5x128xi32, #tpu.memory_space<vmem>> -> memref<1x5x128xi32, #tpu.memory_space<vmem>>
    %dma_wait3A_118 = tpu.memref_squeeze %dma_wait3A_117 : memref<1x5x128xi32, #tpu.memory_space<vmem>> -> memref<5x128xi32, #tpu.memory_space<vmem>>
    %dma_wait3A_119 = arith.constant 0 : i32
    %dma_wait3A_120 = tpu.memref_slice %dma_wait3A_118[%dma_wait3A_106, %dma_wait3A_119] : memref<5x128xi32, #tpu.memory_space<vmem>> -> memref<1x128xi32, #tpu.memory_space<vmem>>
    %dma_wait3A_121 = tpu.memref_squeeze %dma_wait3A_120 : memref<1x128xi32, #tpu.memory_space<vmem>> -> memref<128xi32, #tpu.memory_space<vmem>>
    %dma_wait3A_122 = arith.constant 0 : i32
    %dma_wait3A_123 = arith.constant 0 : i32
    %dma_wait3A_124 = tpu.memref_slice %arg3[%dma_wait3A_122, %dma_wait3A_123] : memref<1000000x64xf32, #tpu.memory_space<hbm>> -> memref<1000000x64xf32, #tpu.memory_space<hbm>>
    tpu.wait_indirect_dma semaphore(%arg7 : memref<!tpu.dma_semaphore, #tpu.memory_space<semaphore_mem>>) src(%dma_wait3A_124 : memref<1000000x64xf32, #tpu.memory_space<hbm>>) dst(%dma_wait3A_114 : memref<128x64xf32, #tpu.memory_space<vmem>>)
    %dma_wait3A_125 = arith.constant 0 : i32
    %dma_wait3A_126 = arith.constant 1 : i32
    %dma_wait3A_127 = arith.constant 0 : i32
    %dma_wait3A_128 = arith.constant 0 : i32
    %dma_wait3A_129 = arith.constant 0 : i32
    %dma_wait3A_130 = tpu.memref_slice %arg6[%dma_wait3A_127, %dma_wait3A_128, %dma_wait3A_129] : memref<2x640x64xf32, #tpu.memory_space<vmem>> -> memref<1x640x64xf32, #tpu.memory_space<vmem>>
    %dma_wait3A_131 = tpu.memref_squeeze %dma_wait3A_130 : memref<1x640x64xf32, #tpu.memory_space<vmem>> -> memref<640x64xf32, #tpu.memory_space<vmem>>
    %dma_wait3A_132 = arith.constant 128 : i32
    %dma_wait3A_133 = arith.constant 0 : i32
    %dma_wait3A_134 = tpu.memref_slice %dma_wait3A_131[%dma_wait3A_132, %dma_wait3A_133] : memref<640x64xf32, #tpu.memory_space<vmem>> -> memref<128x64xf32, #tpu.memory_space<vmem>>
    %dma_wait3A_135 = arith.constant 0 : i32
    %dma_wait3A_136 = arith.constant 0 : i32
    %dma_wait3A_137 = tpu.memref_slice %arg5[%dma_wait3A_125, %dma_wait3A_135, %dma_wait3A_136] : memref<2x5x128xi32, #tpu.memory_space<vmem>> -> memref<1x5x128xi32, #tpu.memory_space<vmem>>
    %dma_wait3A_138 = tpu.memref_squeeze %dma_wait3A_137 : memref<1x5x128xi32, #tpu.memory_space<vmem>> -> memref<5x128xi32, #tpu.memory_space<vmem>>
    %dma_wait3A_139 = arith.constant 0 : i32
    %dma_wait3A_140 = tpu.memref_slice %dma_wait3A_138[%dma_wait3A_126, %dma_wait3A_139] : memref<5x128xi32, #tpu.memory_space<vmem>> -> memref<1x128xi32, #tpu.memory_space<vmem>>
    %dma_wait3A_141 = tpu.memref_squeeze %dma_wait3A_140 : memref<1x128xi32, #tpu.memory_space<vmem>> -> memref<128xi32, #tpu.memory_space<vmem>>
    %dma_wait3A_142 = arith.constant 0 : i32
    %dma_wait3A_143 = arith.constant 0 : i32
    %dma_wait3A_144 = tpu.memref_slice %arg3[%dma_wait3A_142, %dma_wait3A_143] : memref<1000000x64xf32, #tpu.memory_space<hbm>> -> memref<1000000x64xf32, #tpu.memory_space<hbm>>
    tpu.wait_indirect_dma semaphore(%arg7 : memref<!tpu.dma_semaphore, #tpu.memory_space<semaphore_mem>>) src(%dma_wait3A_144 : memref<1000000x64xf32, #tpu.memory_space<hbm>>) dst(%dma_wait3A_134 : memref<128x64xf32, #tpu.memory_space<vmem>>)
    %dma_wait3A_145 = arith.constant 0 : i32
    %dma_wait3A_146 = arith.constant 2 : i32
    %dma_wait3A_147 = arith.constant 0 : i32
    %dma_wait3A_148 = arith.constant 0 : i32
    %dma_wait3A_149 = arith.constant 0 : i32
    %dma_wait3A_150 = tpu.memref_slice %arg6[%dma_wait3A_147, %dma_wait3A_148, %dma_wait3A_149] : memref<2x640x64xf32, #tpu.memory_space<vmem>> -> memref<1x640x64xf32, #tpu.memory_space<vmem>>
    %dma_wait3A_151 = tpu.memref_squeeze %dma_wait3A_150 : memref<1x640x64xf32, #tpu.memory_space<vmem>> -> memref<640x64xf32, #tpu.memory_space<vmem>>
    %dma_wait3A_152 = arith.constant 256 : i32
    %dma_wait3A_153 = arith.constant 0 : i32
    %dma_wait3A_154 = tpu.memref_slice %dma_wait3A_151[%dma_wait3A_152, %dma_wait3A_153] : memref<640x64xf32, #tpu.memory_space<vmem>> -> memref<128x64xf32, #tpu.memory_space<vmem>>
    %dma_wait3A_155 = arith.constant 0 : i32
    %dma_wait3A_156 = arith.constant 0 : i32
    %dma_wait3A_157 = tpu.memref_slice %arg5[%dma_wait3A_145, %dma_wait3A_155, %dma_wait3A_156] : memref<2x5x128xi32, #tpu.memory_space<vmem>> -> memref<1x5x128xi32, #tpu.memory_space<vmem>>
    %dma_wait3A_158 = tpu.memref_squeeze %dma_wait3A_157 : memref<1x5x128xi32, #tpu.memory_space<vmem>> -> memref<5x128xi32, #tpu.memory_space<vmem>>
    %dma_wait3A_159 = arith.constant 0 : i32
    %dma_wait3A_160 = tpu.memref_slice %dma_wait3A_158[%dma_wait3A_146, %dma_wait3A_159] : memref<5x128xi32, #tpu.memory_space<vmem>> -> memref<1x128xi32, #tpu.memory_space<vmem>>
    %dma_wait3A_161 = tpu.memref_squeeze %dma_wait3A_160 : memref<1x128xi32, #tpu.memory_space<vmem>> -> memref<128xi32, #tpu.memory_space<vmem>>
    %dma_wait3A_162 = arith.constant 0 : i32
    %dma_wait3A_163 = arith.constant 0 : i32
    %dma_wait3A_164 = tpu.memref_slice %arg3[%dma_wait3A_162, %dma_wait3A_163] : memref<1000000x64xf32, #tpu.memory_space<hbm>> -> memref<1000000x64xf32, #tpu.memory_space<hbm>>
    tpu.wait_indirect_dma semaphore(%arg7 : memref<!tpu.dma_semaphore, #tpu.memory_space<semaphore_mem>>) src(%dma_wait3A_164 : memref<1000000x64xf32, #tpu.memory_space<hbm>>) dst(%dma_wait3A_154 : memref<128x64xf32, #tpu.memory_space<vmem>>)
    %dma_wait3A_165 = arith.constant 0 : i32
    %dma_wait3A_166 = arith.constant 3 : i32
    %dma_wait3A_167 = arith.constant 0 : i32
    %dma_wait3A_168 = arith.constant 0 : i32
    %dma_wait3A_169 = arith.constant 0 : i32
    %dma_wait3A_170 = tpu.memref_slice %arg6[%dma_wait3A_167, %dma_wait3A_168, %dma_wait3A_169] : memref<2x640x64xf32, #tpu.memory_space<vmem>> -> memref<1x640x64xf32, #tpu.memory_space<vmem>>
    %dma_wait3A_171 = tpu.memref_squeeze %dma_wait3A_170 : memref<1x640x64xf32, #tpu.memory_space<vmem>> -> memref<640x64xf32, #tpu.memory_space<vmem>>
    %dma_wait3A_172 = arith.constant 384 : i32
    %dma_wait3A_173 = arith.constant 0 : i32
    %dma_wait3A_174 = tpu.memref_slice %dma_wait3A_171[%dma_wait3A_172, %dma_wait3A_173] : memref<640x64xf32, #tpu.memory_space<vmem>> -> memref<128x64xf32, #tpu.memory_space<vmem>>
    %dma_wait3A_175 = arith.constant 0 : i32
    %dma_wait3A_176 = arith.constant 0 : i32
    %dma_wait3A_177 = tpu.memref_slice %arg5[%dma_wait3A_165, %dma_wait3A_175, %dma_wait3A_176] : memref<2x5x128xi32, #tpu.memory_space<vmem>> -> memref<1x5x128xi32, #tpu.memory_space<vmem>>
    %dma_wait3A_178 = tpu.memref_squeeze %dma_wait3A_177 : memref<1x5x128xi32, #tpu.memory_space<vmem>> -> memref<5x128xi32, #tpu.memory_space<vmem>>
    %dma_wait3A_179 = arith.constant 0 : i32
    %dma_wait3A_180 = tpu.memref_slice %dma_wait3A_178[%dma_wait3A_166, %dma_wait3A_179] : memref<5x128xi32, #tpu.memory_space<vmem>> -> memref<1x128xi32, #tpu.memory_space<vmem>>
    %dma_wait3A_181 = tpu.memref_squeeze %dma_wait3A_180 : memref<1x128xi32, #tpu.memory_space<vmem>> -> memref<128xi32, #tpu.memory_space<vmem>>
    %dma_wait3A_182 = arith.constant 0 : i32
    %dma_wait3A_183 = arith.constant 0 : i32
    %dma_wait3A_184 = tpu.memref_slice %arg3[%dma_wait3A_182, %dma_wait3A_183] : memref<1000000x64xf32, #tpu.memory_space<hbm>> -> memref<1000000x64xf32, #tpu.memory_space<hbm>>
    tpu.wait_indirect_dma semaphore(%arg7 : memref<!tpu.dma_semaphore, #tpu.memory_space<semaphore_mem>>) src(%dma_wait3A_184 : memref<1000000x64xf32, #tpu.memory_space<hbm>>) dst(%dma_wait3A_174 : memref<128x64xf32, #tpu.memory_space<vmem>>)
    %dma_wait3A_185 = arith.constant 0 : i32
    %dma_wait3A_186 = arith.constant 4 : i32
    %dma_wait3A_187 = arith.constant 0 : i32
    %dma_wait3A_188 = arith.constant 0 : i32
    %dma_wait3A_189 = arith.constant 0 : i32
    %dma_wait3A_190 = tpu.memref_slice %arg6[%dma_wait3A_187, %dma_wait3A_188, %dma_wait3A_189] : memref<2x640x64xf32, #tpu.memory_space<vmem>> -> memref<1x640x64xf32, #tpu.memory_space<vmem>>
    %dma_wait3A_191 = tpu.memref_squeeze %dma_wait3A_190 : memref<1x640x64xf32, #tpu.memory_space<vmem>> -> memref<640x64xf32, #tpu.memory_space<vmem>>
    %dma_wait3A_192 = arith.constant 512 : i32
    %dma_wait3A_193 = arith.constant 0 : i32
    %dma_wait3A_194 = tpu.memref_slice %dma_wait3A_191[%dma_wait3A_192, %dma_wait3A_193] : memref<640x64xf32, #tpu.memory_space<vmem>> -> memref<128x64xf32, #tpu.memory_space<vmem>>
    %dma_wait3A_195 = arith.constant 0 : i32
    %dma_wait3A_196 = arith.constant 0 : i32
    %dma_wait3A_197 = tpu.memref_slice %arg5[%dma_wait3A_185, %dma_wait3A_195, %dma_wait3A_196] : memref<2x5x128xi32, #tpu.memory_space<vmem>> -> memref<1x5x128xi32, #tpu.memory_space<vmem>>
    %dma_wait3A_198 = tpu.memref_squeeze %dma_wait3A_197 : memref<1x5x128xi32, #tpu.memory_space<vmem>> -> memref<5x128xi32, #tpu.memory_space<vmem>>
    %dma_wait3A_199 = arith.constant 0 : i32
    %dma_wait3A_200 = tpu.memref_slice %dma_wait3A_198[%dma_wait3A_186, %dma_wait3A_199] : memref<5x128xi32, #tpu.memory_space<vmem>> -> memref<1x128xi32, #tpu.memory_space<vmem>>
    %dma_wait3A_201 = tpu.memref_squeeze %dma_wait3A_200 : memref<1x128xi32, #tpu.memory_space<vmem>> -> memref<128xi32, #tpu.memory_space<vmem>>
    %dma_wait3A_202 = arith.constant 0 : i32
    %dma_wait3A_203 = arith.constant 0 : i32
    %dma_wait3A_204 = tpu.memref_slice %arg3[%dma_wait3A_202, %dma_wait3A_203] : memref<1000000x64xf32, #tpu.memory_space<hbm>> -> memref<1000000x64xf32, #tpu.memory_space<hbm>>
    tpu.wait_indirect_dma semaphore(%arg7 : memref<!tpu.dma_semaphore, #tpu.memory_space<semaphore_mem>>) src(%dma_wait3A_204 : memref<1000000x64xf32, #tpu.memory_space<hbm>>) dst(%dma_wait3A_194 : memref<128x64xf32, #tpu.memory_space<vmem>>)
    %add3A_205 = arith.constant 0 : i32
    %add3A_206 = arith.addi %mul3A_4, %add3A_205 : i32
    %dma_start3A_207 = arith.constant 0 : i32
    %dma_start3A_208 = arith.constant 0 : i32
    %dma_start3A_209 = arith.constant 0 : i32
    %dma_start3A_210 = tpu.memref_slice %arg6[%dma_start3A_207, %dma_start3A_208, %dma_start3A_209] : memref<2x640x64xf32, #tpu.memory_space<vmem>> -> memref<1x640x64xf32, #tpu.memory_space<vmem>>
    %dma_start3A_211 = tpu.memref_squeeze %dma_start3A_210 : memref<1x640x64xf32, #tpu.memory_space<vmem>> -> memref<640x64xf32, #tpu.memory_space<vmem>>
    %dma_start3A_212 = arith.constant 0 : i32
    %dma_start3A_213 = tpu.memref_slice %arg4[%add3A_206, %dma_start3A_212] : memref<819200x128xf32, #tpu.memory_space<hbm>> -> memref<640x64xf32, #tpu.memory_space<hbm>>
    %dma_start3A_214 = arith.constant 0 : i32
    %dma_start3A_215 = tpu.memref_slice %arg4[%add3A_206, %dma_start3A_214] : memref<819200x128xf32, #tpu.memory_space<hbm>> -> memref<640x64xf32, #tpu.memory_space<hbm>>
    %dma_start3A_216 = arith.constant 0 : i32
    %dma_start3A_217 = arith.constant 0 : i32
    %dma_start3A_218 = tpu.memref_slice %arg6[%dma_start3A_207, %dma_start3A_216, %dma_start3A_217] : memref<2x640x64xf32, #tpu.memory_space<vmem>> -> memref<1x640x64xf32, #tpu.memory_space<vmem>>
    %dma_start3A_219 = tpu.memref_squeeze %dma_start3A_218 : memref<1x640x64xf32, #tpu.memory_space<vmem>> -> memref<640x64xf32, #tpu.memory_space<vmem>>
    tpu.enqueue_dma source(%dma_start3A_219 : memref<640x64xf32, #tpu.memory_space<vmem>>) target(%dma_start3A_215 : memref<640x64xf32, #tpu.memory_space<hbm>>) target_semaphore(%arg8 : memref<!tpu.dma_semaphore, #tpu.memory_space<semaphore_mem>>)
    %add3A_220 = arith.constant 5 : i32
    %add3A_221 = arith.addi %mul3A_2, %add3A_220 : i32
    %run_scoped3A_222 = arith.constant 1 : i32
    "tpu.region"() ({
      %run_scoped3A_474 = tpu.sem_alloc : memref<!tpu.dma_semaphore, #tpu.memory_space<semaphore_mem>>
      %dma_start3A_475 = arith.constant 0 : i32
      %dma_start3A_476 = arith.constant 0 : i32
      %dma_start3A_477 = tpu.memref_slice %arg5[%run_scoped3A_222, %dma_start3A_475, %dma_start3A_476] : memref<2x5x128xi32, #tpu.memory_space<vmem>> -> memref<1x5x128xi32, #tpu.memory_space<vmem>>
      %dma_start3A_478 = tpu.memref_squeeze %dma_start3A_477 : memref<1x5x128xi32, #tpu.memory_space<vmem>> -> memref<5x128xi32, #tpu.memory_space<vmem>>
      %dma_start3A_479 = arith.constant 0 : i32
      %dma_start3A_480 = tpu.memref_slice %arg2[%add3A_221, %dma_start3A_479] : memref<6400x128xi32, #tpu.memory_space<hbm>> -> memref<5x128xi32, #tpu.memory_space<hbm>>
      %dma_start3A_481 = arith.constant 0 : i32
      %dma_start3A_482 = arith.constant 0 : i32
      %dma_start3A_483 = tpu.memref_slice %arg5[%run_scoped3A_222, %dma_start3A_481, %dma_start3A_482] : memref<2x5x128xi32, #tpu.memory_space<vmem>> -> memref<1x5x128xi32, #tpu.memory_space<vmem>>
      %dma_start3A_484 = tpu.memref_squeeze %dma_start3A_483 : memref<1x5x128xi32, #tpu.memory_space<vmem>> -> memref<5x128xi32, #tpu.memory_space<vmem>>
      %dma_start3A_485 = arith.constant 0 : i32
      %dma_start3A_486 = tpu.memref_slice %arg2[%add3A_221, %dma_start3A_485] : memref<6400x128xi32, #tpu.memory_space<hbm>> -> memref<5x128xi32, #tpu.memory_space<hbm>>
      tpu.enqueue_dma source(%dma_start3A_486 : memref<5x128xi32, #tpu.memory_space<hbm>>) target(%dma_start3A_484 : memref<5x128xi32, #tpu.memory_space<vmem>>) target_semaphore(%run_scoped3A_474 : memref<!tpu.dma_semaphore, #tpu.memory_space<semaphore_mem>>)
      %dma_wait3A_487 = arith.constant 0 : i32
      %dma_wait3A_488 = arith.constant 0 : i32
      %dma_wait3A_489 = tpu.memref_slice %arg5[%run_scoped3A_222, %dma_wait3A_487, %dma_wait3A_488] : memref<2x5x128xi32, #tpu.memory_space<vmem>> -> memref<1x5x128xi32, #tpu.memory_space<vmem>>
      %dma_wait3A_490 = tpu.memref_squeeze %dma_wait3A_489 : memref<1x5x128xi32, #tpu.memory_space<vmem>> -> memref<5x128xi32, #tpu.memory_space<vmem>>
      %dma_wait3A_491 = arith.constant 0 : i32
      %dma_wait3A_492 = tpu.memref_slice %arg2[%add3A_221, %dma_wait3A_491] : memref<6400x128xi32, #tpu.memory_space<hbm>> -> memref<5x128xi32, #tpu.memory_space<hbm>>
      %dma_wait3A_493 = arith.constant 0 : i32
      %dma_wait3A_494 = arith.constant 0 : i32
      %dma_wait3A_495 = tpu.memref_slice %arg5[%run_scoped3A_222, %dma_wait3A_493, %dma_wait3A_494] : memref<2x5x128xi32, #tpu.memory_space<vmem>> -> memref<1x5x128xi32, #tpu.memory_space<vmem>>
      %dma_wait3A_496 = tpu.memref_squeeze %dma_wait3A_495 : memref<1x5x128xi32, #tpu.memory_space<vmem>> -> memref<5x128xi32, #tpu.memory_space<vmem>>
      %dma_wait3A_497 = arith.constant 0 : i32
      %dma_wait3A_498 = tpu.memref_slice %arg2[%add3A_221, %dma_wait3A_497] : memref<6400x128xi32, #tpu.memory_space<hbm>> -> memref<5x128xi32, #tpu.memory_space<hbm>>
      tpu.wait_dma2 semaphore(%run_scoped3A_474 : memref<!tpu.dma_semaphore, #tpu.memory_space<semaphore_mem>>) src(%dma_wait3A_498 : memref<5x128xi32, #tpu.memory_space<hbm>>) dst(%dma_wait3A_496 : memref<5x128xi32, #tpu.memory_space<vmem>>)
      tpu.yield
    }) : () -> ()
    %dma_start3A_223 = arith.constant 1 : i32
    %dma_start3A_224 = arith.constant 0 : i32
    %dma_start3A_225 = arith.constant 1 : i32
    %dma_start3A_226 = arith.constant 0 : i32
    %dma_start3A_227 = arith.constant 0 : i32
    %dma_start3A_228 = tpu.memref_slice %arg6[%dma_start3A_225, %dma_start3A_226, %dma_start3A_227] : memref<2x640x64xf32, #tpu.memory_space<vmem>> -> memref<1x640x64xf32, #tpu.memory_space<vmem>>
    %dma_start3A_229 = tpu.memref_squeeze %dma_start3A_228 : memref<1x640x64xf32, #tpu.memory_space<vmem>> -> memref<640x64xf32, #tpu.memory_space<vmem>>
    %dma_start3A_230 = arith.constant 0 : i32
    %dma_start3A_231 = arith.constant 0 : i32
    %dma_start3A_232 = tpu.memref_slice %dma_start3A_229[%dma_start3A_230, %dma_start3A_231] : memref<640x64xf32, #tpu.memory_space<vmem>> -> memref<128x64xf32, #tpu.memory_space<vmem>>
    %dma_start3A_233 = arith.constant 0 : i32
    %dma_start3A_234 = arith.constant 0 : i32
    %dma_start3A_235 = tpu.memref_slice %arg5[%dma_start3A_223, %dma_start3A_233, %dma_start3A_234] : memref<2x5x128xi32, #tpu.memory_space<vmem>> -> memref<1x5x128xi32, #tpu.memory_space<vmem>>
    %dma_start3A_236 = tpu.memref_squeeze %dma_start3A_235 : memref<1x5x128xi32, #tpu.memory_space<vmem>> -> memref<5x128xi32, #tpu.memory_space<vmem>>
    %dma_start3A_237 = arith.constant 0 : i32
    %dma_start3A_238 = tpu.memref_slice %dma_start3A_236[%dma_start3A_224, %dma_start3A_237] : memref<5x128xi32, #tpu.memory_space<vmem>> -> memref<1x128xi32, #tpu.memory_space<vmem>>
    %dma_start3A_239 = tpu.memref_squeeze %dma_start3A_238 : memref<1x128xi32, #tpu.memory_space<vmem>> -> memref<128xi32, #tpu.memory_space<vmem>>
    %dma_start3A_240 = arith.constant 0 : i32
    %dma_start3A_241 = arith.constant 0 : i32
    %dma_start3A_242 = tpu.memref_slice %arg3[%dma_start3A_240, %dma_start3A_241] : memref<1000000x64xf32, #tpu.memory_space<hbm>> -> memref<1000000x64xf32, #tpu.memory_space<hbm>>
    tpu.enqueue_indirect_dma source(%dma_start3A_242 : memref<1000000x64xf32, #tpu.memory_space<hbm>>) target(%dma_start3A_232 : memref<128x64xf32, #tpu.memory_space<vmem>>) offsets(%dma_start3A_239 : memref<128xi32, #tpu.memory_space<vmem>>) semaphore(%arg7 : memref<!tpu.dma_semaphore, #tpu.memory_space<semaphore_mem>>)
    %dma_start3A_243 = arith.constant 1 : i32
    %dma_start3A_244 = arith.constant 1 : i32
    %dma_start3A_245 = arith.constant 1 : i32
    %dma_start3A_246 = arith.constant 0 : i32
    %dma_start3A_247 = arith.constant 0 : i32
    %dma_start3A_248 = tpu.memref_slice %arg6[%dma_start3A_245, %dma_start3A_246, %dma_start3A_247] : memref<2x640x64xf32, #tpu.memory_space<vmem>> -> memref<1x640x64xf32, #tpu.memory_space<vmem>>
    %dma_start3A_249 = tpu.memref_squeeze %dma_start3A_248 : memref<1x640x64xf32, #tpu.memory_space<vmem>> -> memref<640x64xf32, #tpu.memory_space<vmem>>
    %dma_start3A_250 = arith.constant 128 : i32
    %dma_start3A_251 = arith.constant 0 : i32
    %dma_start3A_252 = tpu.memref_slice %dma_start3A_249[%dma_start3A_250, %dma_start3A_251] : memref<640x64xf32, #tpu.memory_space<vmem>> -> memref<128x64xf32, #tpu.memory_space<vmem>>
    %dma_start3A_253 = arith.constant 0 : i32
    %dma_start3A_254 = arith.constant 0 : i32
    %dma_start3A_255 = tpu.memref_slice %arg5[%dma_start3A_243, %dma_start3A_253, %dma_start3A_254] : memref<2x5x128xi32, #tpu.memory_space<vmem>> -> memref<1x5x128xi32, #tpu.memory_space<vmem>>
    %dma_start3A_256 = tpu.memref_squeeze %dma_start3A_255 : memref<1x5x128xi32, #tpu.memory_space<vmem>> -> memref<5x128xi32, #tpu.memory_space<vmem>>
    %dma_start3A_257 = arith.constant 0 : i32
    %dma_start3A_258 = tpu.memref_slice %dma_start3A_256[%dma_start3A_244, %dma_start3A_257] : memref<5x128xi32, #tpu.memory_space<vmem>> -> memref<1x128xi32, #tpu.memory_space<vmem>>
    %dma_start3A_259 = tpu.memref_squeeze %dma_start3A_258 : memref<1x128xi32, #tpu.memory_space<vmem>> -> memref<128xi32, #tpu.memory_space<vmem>>
    %dma_start3A_260 = arith.constant 0 : i32
    %dma_start3A_261 = arith.constant 0 : i32
    %dma_start3A_262 = tpu.memref_slice %arg3[%dma_start3A_260, %dma_start3A_261] : memref<1000000x64xf32, #tpu.memory_space<hbm>> -> memref<1000000x64xf32, #tpu.memory_space<hbm>>
    tpu.enqueue_indirect_dma source(%dma_start3A_262 : memref<1000000x64xf32, #tpu.memory_space<hbm>>) target(%dma_start3A_252 : memref<128x64xf32, #tpu.memory_space<vmem>>) offsets(%dma_start3A_259 : memref<128xi32, #tpu.memory_space<vmem>>) semaphore(%arg7 : memref<!tpu.dma_semaphore, #tpu.memory_space<semaphore_mem>>)
    %dma_start3A_263 = arith.constant 1 : i32
    %dma_start3A_264 = arith.constant 2 : i32
    %dma_start3A_265 = arith.constant 1 : i32
    %dma_start3A_266 = arith.constant 0 : i32
    %dma_start3A_267 = arith.constant 0 : i32
    %dma_start3A_268 = tpu.memref_slice %arg6[%dma_start3A_265, %dma_start3A_266, %dma_start3A_267] : memref<2x640x64xf32, #tpu.memory_space<vmem>> -> memref<1x640x64xf32, #tpu.memory_space<vmem>>
    %dma_start3A_269 = tpu.memref_squeeze %dma_start3A_268 : memref<1x640x64xf32, #tpu.memory_space<vmem>> -> memref<640x64xf32, #tpu.memory_space<vmem>>
    %dma_start3A_270 = arith.constant 256 : i32
    %dma_start3A_271 = arith.constant 0 : i32
    %dma_start3A_272 = tpu.memref_slice %dma_start3A_269[%dma_start3A_270, %dma_start3A_271] : memref<640x64xf32, #tpu.memory_space<vmem>> -> memref<128x64xf32, #tpu.memory_space<vmem>>
    %dma_start3A_273 = arith.constant 0 : i32
    %dma_start3A_274 = arith.constant 0 : i32
    %dma_start3A_275 = tpu.memref_slice %arg5[%dma_start3A_263, %dma_start3A_273, %dma_start3A_274] : memref<2x5x128xi32, #tpu.memory_space<vmem>> -> memref<1x5x128xi32, #tpu.memory_space<vmem>>
    %dma_start3A_276 = tpu.memref_squeeze %dma_start3A_275 : memref<1x5x128xi32, #tpu.memory_space<vmem>> -> memref<5x128xi32, #tpu.memory_space<vmem>>
    %dma_start3A_277 = arith.constant 0 : i32
    %dma_start3A_278 = tpu.memref_slice %dma_start3A_276[%dma_start3A_264, %dma_start3A_277] : memref<5x128xi32, #tpu.memory_space<vmem>> -> memref<1x128xi32, #tpu.memory_space<vmem>>
    %dma_start3A_279 = tpu.memref_squeeze %dma_start3A_278 : memref<1x128xi32, #tpu.memory_space<vmem>> -> memref<128xi32, #tpu.memory_space<vmem>>
    %dma_start3A_280 = arith.constant 0 : i32
    %dma_start3A_281 = arith.constant 0 : i32
    %dma_start3A_282 = tpu.memref_slice %arg3[%dma_start3A_280, %dma_start3A_281] : memref<1000000x64xf32, #tpu.memory_space<hbm>> -> memref<1000000x64xf32, #tpu.memory_space<hbm>>
    tpu.enqueue_indirect_dma source(%dma_start3A_282 : memref<1000000x64xf32, #tpu.memory_space<hbm>>) target(%dma_start3A_272 : memref<128x64xf32, #tpu.memory_space<vmem>>) offsets(%dma_start3A_279 : memref<128xi32, #tpu.memory_space<vmem>>) semaphore(%arg7 : memref<!tpu.dma_semaphore, #tpu.memory_space<semaphore_mem>>)
    %dma_start3A_283 = arith.constant 1 : i32
    %dma_start3A_284 = arith.constant 3 : i32
    %dma_start3A_285 = arith.constant 1 : i32
    %dma_start3A_286 = arith.constant 0 : i32
    %dma_start3A_287 = arith.constant 0 : i32
    %dma_start3A_288 = tpu.memref_slice %arg6[%dma_start3A_285, %dma_start3A_286, %dma_start3A_287] : memref<2x640x64xf32, #tpu.memory_space<vmem>> -> memref<1x640x64xf32, #tpu.memory_space<vmem>>
    %dma_start3A_289 = tpu.memref_squeeze %dma_start3A_288 : memref<1x640x64xf32, #tpu.memory_space<vmem>> -> memref<640x64xf32, #tpu.memory_space<vmem>>
    %dma_start3A_290 = arith.constant 384 : i32
    %dma_start3A_291 = arith.constant 0 : i32
    %dma_start3A_292 = tpu.memref_slice %dma_start3A_289[%dma_start3A_290, %dma_start3A_291] : memref<640x64xf32, #tpu.memory_space<vmem>> -> memref<128x64xf32, #tpu.memory_space<vmem>>
    %dma_start3A_293 = arith.constant 0 : i32
    %dma_start3A_294 = arith.constant 0 : i32
    %dma_start3A_295 = tpu.memref_slice %arg5[%dma_start3A_283, %dma_start3A_293, %dma_start3A_294] : memref<2x5x128xi32, #tpu.memory_space<vmem>> -> memref<1x5x128xi32, #tpu.memory_space<vmem>>
    %dma_start3A_296 = tpu.memref_squeeze %dma_start3A_295 : memref<1x5x128xi32, #tpu.memory_space<vmem>> -> memref<5x128xi32, #tpu.memory_space<vmem>>
    %dma_start3A_297 = arith.constant 0 : i32
    %dma_start3A_298 = tpu.memref_slice %dma_start3A_296[%dma_start3A_284, %dma_start3A_297] : memref<5x128xi32, #tpu.memory_space<vmem>> -> memref<1x128xi32, #tpu.memory_space<vmem>>
    %dma_start3A_299 = tpu.memref_squeeze %dma_start3A_298 : memref<1x128xi32, #tpu.memory_space<vmem>> -> memref<128xi32, #tpu.memory_space<vmem>>
    %dma_start3A_300 = arith.constant 0 : i32
    %dma_start3A_301 = arith.constant 0 : i32
    %dma_start3A_302 = tpu.memref_slice %arg3[%dma_start3A_300, %dma_start3A_301] : memref<1000000x64xf32, #tpu.memory_space<hbm>> -> memref<1000000x64xf32, #tpu.memory_space<hbm>>
    tpu.enqueue_indirect_dma source(%dma_start3A_302 : memref<1000000x64xf32, #tpu.memory_space<hbm>>) target(%dma_start3A_292 : memref<128x64xf32, #tpu.memory_space<vmem>>) offsets(%dma_start3A_299 : memref<128xi32, #tpu.memory_space<vmem>>) semaphore(%arg7 : memref<!tpu.dma_semaphore, #tpu.memory_space<semaphore_mem>>)
    %dma_start3A_303 = arith.constant 1 : i32
    %dma_start3A_304 = arith.constant 4 : i32
    %dma_start3A_305 = arith.constant 1 : i32
    %dma_start3A_306 = arith.constant 0 : i32
    %dma_start3A_307 = arith.constant 0 : i32
    %dma_start3A_308 = tpu.memref_slice %arg6[%dma_start3A_305, %dma_start3A_306, %dma_start3A_307] : memref<2x640x64xf32, #tpu.memory_space<vmem>> -> memref<1x640x64xf32, #tpu.memory_space<vmem>>
    %dma_start3A_309 = tpu.memref_squeeze %dma_start3A_308 : memref<1x640x64xf32, #tpu.memory_space<vmem>> -> memref<640x64xf32, #tpu.memory_space<vmem>>
    %dma_start3A_310 = arith.constant 512 : i32
    %dma_start3A_311 = arith.constant 0 : i32
    %dma_start3A_312 = tpu.memref_slice %dma_start3A_309[%dma_start3A_310, %dma_start3A_311] : memref<640x64xf32, #tpu.memory_space<vmem>> -> memref<128x64xf32, #tpu.memory_space<vmem>>
    %dma_start3A_313 = arith.constant 0 : i32
    %dma_start3A_314 = arith.constant 0 : i32
    %dma_start3A_315 = tpu.memref_slice %arg5[%dma_start3A_303, %dma_start3A_313, %dma_start3A_314] : memref<2x5x128xi32, #tpu.memory_space<vmem>> -> memref<1x5x128xi32, #tpu.memory_space<vmem>>
    %dma_start3A_316 = tpu.memref_squeeze %dma_start3A_315 : memref<1x5x128xi32, #tpu.memory_space<vmem>> -> memref<5x128xi32, #tpu.memory_space<vmem>>
    %dma_start3A_317 = arith.constant 0 : i32
    %dma_start3A_318 = tpu.memref_slice %dma_start3A_316[%dma_start3A_304, %dma_start3A_317] : memref<5x128xi32, #tpu.memory_space<vmem>> -> memref<1x128xi32, #tpu.memory_space<vmem>>
    %dma_start3A_319 = tpu.memref_squeeze %dma_start3A_318 : memref<1x128xi32, #tpu.memory_space<vmem>> -> memref<128xi32, #tpu.memory_space<vmem>>
    %dma_start3A_320 = arith.constant 0 : i32
    %dma_start3A_321 = arith.constant 0 : i32
    %dma_start3A_322 = tpu.memref_slice %arg3[%dma_start3A_320, %dma_start3A_321] : memref<1000000x64xf32, #tpu.memory_space<hbm>> -> memref<1000000x64xf32, #tpu.memory_space<hbm>>
    tpu.enqueue_indirect_dma source(%dma_start3A_322 : memref<1000000x64xf32, #tpu.memory_space<hbm>>) target(%dma_start3A_312 : memref<128x64xf32, #tpu.memory_space<vmem>>) offsets(%dma_start3A_319 : memref<128xi32, #tpu.memory_space<vmem>>) semaphore(%arg7 : memref<!tpu.dma_semaphore, #tpu.memory_space<semaphore_mem>>)
    %dma_wait3A_323 = arith.constant 1 : i32
    %dma_wait3A_324 = arith.constant 0 : i32
    %dma_wait3A_325 = arith.constant 1 : i32
    %dma_wait3A_326 = arith.constant 0 : i32
    %dma_wait3A_327 = arith.constant 0 : i32
    %dma_wait3A_328 = tpu.memref_slice %arg6[%dma_wait3A_325, %dma_wait3A_326, %dma_wait3A_327] : memref<2x640x64xf32, #tpu.memory_space<vmem>> -> memref<1x640x64xf32, #tpu.memory_space<vmem>>
    %dma_wait3A_329 = tpu.memref_squeeze %dma_wait3A_328 : memref<1x640x64xf32, #tpu.memory_space<vmem>> -> memref<640x64xf32, #tpu.memory_space<vmem>>
    %dma_wait3A_330 = arith.constant 0 : i32
    %dma_wait3A_331 = arith.constant 0 : i32
    %dma_wait3A_332 = tpu.memref_slice %dma_wait3A_329[%dma_wait3A_330, %dma_wait3A_331] : memref<640x64xf32, #tpu.memory_space<vmem>> -> memref<128x64xf32, #tpu.memory_space<vmem>>
    %dma_wait3A_333 = arith.constant 0 : i32
    %dma_wait3A_334 = arith.constant 0 : i32
    %dma_wait3A_335 = tpu.memref_slice %arg5[%dma_wait3A_323, %dma_wait3A_333, %dma_wait3A_334] : memref<2x5x128xi32, #tpu.memory_space<vmem>> -> memref<1x5x128xi32, #tpu.memory_space<vmem>>
    %dma_wait3A_336 = tpu.memref_squeeze %dma_wait3A_335 : memref<1x5x128xi32, #tpu.memory_space<vmem>> -> memref<5x128xi32, #tpu.memory_space<vmem>>
    %dma_wait3A_337 = arith.constant 0 : i32
    %dma_wait3A_338 = tpu.memref_slice %dma_wait3A_336[%dma_wait3A_324, %dma_wait3A_337] : memref<5x128xi32, #tpu.memory_space<vmem>> -> memref<1x128xi32, #tpu.memory_space<vmem>>
    %dma_wait3A_339 = tpu.memref_squeeze %dma_wait3A_338 : memref<1x128xi32, #tpu.memory_space<vmem>> -> memref<128xi32, #tpu.memory_space<vmem>>
    %dma_wait3A_340 = arith.constant 0 : i32
    %dma_wait3A_341 = arith.constant 0 : i32
    %dma_wait3A_342 = tpu.memref_slice %arg3[%dma_wait3A_340, %dma_wait3A_341] : memref<1000000x64xf32, #tpu.memory_space<hbm>> -> memref<1000000x64xf32, #tpu.memory_space<hbm>>
    tpu.wait_indirect_dma semaphore(%arg7 : memref<!tpu.dma_semaphore, #tpu.memory_space<semaphore_mem>>) src(%dma_wait3A_342 : memref<1000000x64xf32, #tpu.memory_space<hbm>>) dst(%dma_wait3A_332 : memref<128x64xf32, #tpu.memory_space<vmem>>)
    %dma_wait3A_343 = arith.constant 1 : i32
    %dma_wait3A_344 = arith.constant 1 : i32
    %dma_wait3A_345 = arith.constant 1 : i32
    %dma_wait3A_346 = arith.constant 0 : i32
    %dma_wait3A_347 = arith.constant 0 : i32
    %dma_wait3A_348 = tpu.memref_slice %arg6[%dma_wait3A_345, %dma_wait3A_346, %dma_wait3A_347] : memref<2x640x64xf32, #tpu.memory_space<vmem>> -> memref<1x640x64xf32, #tpu.memory_space<vmem>>
    %dma_wait3A_349 = tpu.memref_squeeze %dma_wait3A_348 : memref<1x640x64xf32, #tpu.memory_space<vmem>> -> memref<640x64xf32, #tpu.memory_space<vmem>>
    %dma_wait3A_350 = arith.constant 128 : i32
    %dma_wait3A_351 = arith.constant 0 : i32
    %dma_wait3A_352 = tpu.memref_slice %dma_wait3A_349[%dma_wait3A_350, %dma_wait3A_351] : memref<640x64xf32, #tpu.memory_space<vmem>> -> memref<128x64xf32, #tpu.memory_space<vmem>>
    %dma_wait3A_353 = arith.constant 0 : i32
    %dma_wait3A_354 = arith.constant 0 : i32
    %dma_wait3A_355 = tpu.memref_slice %arg5[%dma_wait3A_343, %dma_wait3A_353, %dma_wait3A_354] : memref<2x5x128xi32, #tpu.memory_space<vmem>> -> memref<1x5x128xi32, #tpu.memory_space<vmem>>
    %dma_wait3A_356 = tpu.memref_squeeze %dma_wait3A_355 : memref<1x5x128xi32, #tpu.memory_space<vmem>> -> memref<5x128xi32, #tpu.memory_space<vmem>>
    %dma_wait3A_357 = arith.constant 0 : i32
    %dma_wait3A_358 = tpu.memref_slice %dma_wait3A_356[%dma_wait3A_344, %dma_wait3A_357] : memref<5x128xi32, #tpu.memory_space<vmem>> -> memref<1x128xi32, #tpu.memory_space<vmem>>
    %dma_wait3A_359 = tpu.memref_squeeze %dma_wait3A_358 : memref<1x128xi32, #tpu.memory_space<vmem>> -> memref<128xi32, #tpu.memory_space<vmem>>
    %dma_wait3A_360 = arith.constant 0 : i32
    %dma_wait3A_361 = arith.constant 0 : i32
    %dma_wait3A_362 = tpu.memref_slice %arg3[%dma_wait3A_360, %dma_wait3A_361] : memref<1000000x64xf32, #tpu.memory_space<hbm>> -> memref<1000000x64xf32, #tpu.memory_space<hbm>>
    tpu.wait_indirect_dma semaphore(%arg7 : memref<!tpu.dma_semaphore, #tpu.memory_space<semaphore_mem>>) src(%dma_wait3A_362 : memref<1000000x64xf32, #tpu.memory_space<hbm>>) dst(%dma_wait3A_352 : memref<128x64xf32, #tpu.memory_space<vmem>>)
    %dma_wait3A_363 = arith.constant 1 : i32
    %dma_wait3A_364 = arith.constant 2 : i32
    %dma_wait3A_365 = arith.constant 1 : i32
    %dma_wait3A_366 = arith.constant 0 : i32
    %dma_wait3A_367 = arith.constant 0 : i32
    %dma_wait3A_368 = tpu.memref_slice %arg6[%dma_wait3A_365, %dma_wait3A_366, %dma_wait3A_367] : memref<2x640x64xf32, #tpu.memory_space<vmem>> -> memref<1x640x64xf32, #tpu.memory_space<vmem>>
    %dma_wait3A_369 = tpu.memref_squeeze %dma_wait3A_368 : memref<1x640x64xf32, #tpu.memory_space<vmem>> -> memref<640x64xf32, #tpu.memory_space<vmem>>
    %dma_wait3A_370 = arith.constant 256 : i32
    %dma_wait3A_371 = arith.constant 0 : i32
    %dma_wait3A_372 = tpu.memref_slice %dma_wait3A_369[%dma_wait3A_370, %dma_wait3A_371] : memref<640x64xf32, #tpu.memory_space<vmem>> -> memref<128x64xf32, #tpu.memory_space<vmem>>
    %dma_wait3A_373 = arith.constant 0 : i32
    %dma_wait3A_374 = arith.constant 0 : i32
    %dma_wait3A_375 = tpu.memref_slice %arg5[%dma_wait3A_363, %dma_wait3A_373, %dma_wait3A_374] : memref<2x5x128xi32, #tpu.memory_space<vmem>> -> memref<1x5x128xi32, #tpu.memory_space<vmem>>
    %dma_wait3A_376 = tpu.memref_squeeze %dma_wait3A_375 : memref<1x5x128xi32, #tpu.memory_space<vmem>> -> memref<5x128xi32, #tpu.memory_space<vmem>>
    %dma_wait3A_377 = arith.constant 0 : i32
    %dma_wait3A_378 = tpu.memref_slice %dma_wait3A_376[%dma_wait3A_364, %dma_wait3A_377] : memref<5x128xi32, #tpu.memory_space<vmem>> -> memref<1x128xi32, #tpu.memory_space<vmem>>
    %dma_wait3A_379 = tpu.memref_squeeze %dma_wait3A_378 : memref<1x128xi32, #tpu.memory_space<vmem>> -> memref<128xi32, #tpu.memory_space<vmem>>
    %dma_wait3A_380 = arith.constant 0 : i32
    %dma_wait3A_381 = arith.constant 0 : i32
    %dma_wait3A_382 = tpu.memref_slice %arg3[%dma_wait3A_380, %dma_wait3A_381] : memref<1000000x64xf32, #tpu.memory_space<hbm>> -> memref<1000000x64xf32, #tpu.memory_space<hbm>>
    tpu.wait_indirect_dma semaphore(%arg7 : memref<!tpu.dma_semaphore, #tpu.memory_space<semaphore_mem>>) src(%dma_wait3A_382 : memref<1000000x64xf32, #tpu.memory_space<hbm>>) dst(%dma_wait3A_372 : memref<128x64xf32, #tpu.memory_space<vmem>>)
    %dma_wait3A_383 = arith.constant 1 : i32
    %dma_wait3A_384 = arith.constant 3 : i32
    %dma_wait3A_385 = arith.constant 1 : i32
    %dma_wait3A_386 = arith.constant 0 : i32
    %dma_wait3A_387 = arith.constant 0 : i32
    %dma_wait3A_388 = tpu.memref_slice %arg6[%dma_wait3A_385, %dma_wait3A_386, %dma_wait3A_387] : memref<2x640x64xf32, #tpu.memory_space<vmem>> -> memref<1x640x64xf32, #tpu.memory_space<vmem>>
    %dma_wait3A_389 = tpu.memref_squeeze %dma_wait3A_388 : memref<1x640x64xf32, #tpu.memory_space<vmem>> -> memref<640x64xf32, #tpu.memory_space<vmem>>
    %dma_wait3A_390 = arith.constant 384 : i32
    %dma_wait3A_391 = arith.constant 0 : i32
    %dma_wait3A_392 = tpu.memref_slice %dma_wait3A_389[%dma_wait3A_390, %dma_wait3A_391] : memref<640x64xf32, #tpu.memory_space<vmem>> -> memref<128x64xf32, #tpu.memory_space<vmem>>
    %dma_wait3A_393 = arith.constant 0 : i32
    %dma_wait3A_394 = arith.constant 0 : i32
    %dma_wait3A_395 = tpu.memref_slice %arg5[%dma_wait3A_383, %dma_wait3A_393, %dma_wait3A_394] : memref<2x5x128xi32, #tpu.memory_space<vmem>> -> memref<1x5x128xi32, #tpu.memory_space<vmem>>
    %dma_wait3A_396 = tpu.memref_squeeze %dma_wait3A_395 : memref<1x5x128xi32, #tpu.memory_space<vmem>> -> memref<5x128xi32, #tpu.memory_space<vmem>>
    %dma_wait3A_397 = arith.constant 0 : i32
    %dma_wait3A_398 = tpu.memref_slice %dma_wait3A_396[%dma_wait3A_384, %dma_wait3A_397] : memref<5x128xi32, #tpu.memory_space<vmem>> -> memref<1x128xi32, #tpu.memory_space<vmem>>
    %dma_wait3A_399 = tpu.memref_squeeze %dma_wait3A_398 : memref<1x128xi32, #tpu.memory_space<vmem>> -> memref<128xi32, #tpu.memory_space<vmem>>
    %dma_wait3A_400 = arith.constant 0 : i32
    %dma_wait3A_401 = arith.constant 0 : i32
    %dma_wait3A_402 = tpu.memref_slice %arg3[%dma_wait3A_400, %dma_wait3A_401] : memref<1000000x64xf32, #tpu.memory_space<hbm>> -> memref<1000000x64xf32, #tpu.memory_space<hbm>>
    tpu.wait_indirect_dma semaphore(%arg7 : memref<!tpu.dma_semaphore, #tpu.memory_space<semaphore_mem>>) src(%dma_wait3A_402 : memref<1000000x64xf32, #tpu.memory_space<hbm>>) dst(%dma_wait3A_392 : memref<128x64xf32, #tpu.memory_space<vmem>>)
    %dma_wait3A_403 = arith.constant 1 : i32
    %dma_wait3A_404 = arith.constant 4 : i32
    %dma_wait3A_405 = arith.constant 1 : i32
    %dma_wait3A_406 = arith.constant 0 : i32
    %dma_wait3A_407 = arith.constant 0 : i32
    %dma_wait3A_408 = tpu.memref_slice %arg6[%dma_wait3A_405, %dma_wait3A_406, %dma_wait3A_407] : memref<2x640x64xf32, #tpu.memory_space<vmem>> -> memref<1x640x64xf32, #tpu.memory_space<vmem>>
    %dma_wait3A_409 = tpu.memref_squeeze %dma_wait3A_408 : memref<1x640x64xf32, #tpu.memory_space<vmem>> -> memref<640x64xf32, #tpu.memory_space<vmem>>
    %dma_wait3A_410 = arith.constant 512 : i32
    %dma_wait3A_411 = arith.constant 0 : i32
    %dma_wait3A_412 = tpu.memref_slice %dma_wait3A_409[%dma_wait3A_410, %dma_wait3A_411] : memref<640x64xf32, #tpu.memory_space<vmem>> -> memref<128x64xf32, #tpu.memory_space<vmem>>
    %dma_wait3A_413 = arith.constant 0 : i32
    %dma_wait3A_414 = arith.constant 0 : i32
    %dma_wait3A_415 = tpu.memref_slice %arg5[%dma_wait3A_403, %dma_wait3A_413, %dma_wait3A_414] : memref<2x5x128xi32, #tpu.memory_space<vmem>> -> memref<1x5x128xi32, #tpu.memory_space<vmem>>
    %dma_wait3A_416 = tpu.memref_squeeze %dma_wait3A_415 : memref<1x5x128xi32, #tpu.memory_space<vmem>> -> memref<5x128xi32, #tpu.memory_space<vmem>>
    %dma_wait3A_417 = arith.constant 0 : i32
    %dma_wait3A_418 = tpu.memref_slice %dma_wait3A_416[%dma_wait3A_404, %dma_wait3A_417] : memref<5x128xi32, #tpu.memory_space<vmem>> -> memref<1x128xi32, #tpu.memory_space<vmem>>
    %dma_wait3A_419 = tpu.memref_squeeze %dma_wait3A_418 : memref<1x128xi32, #tpu.memory_space<vmem>> -> memref<128xi32, #tpu.memory_space<vmem>>
    %dma_wait3A_420 = arith.constant 0 : i32
    %dma_wait3A_421 = arith.constant 0 : i32
    %dma_wait3A_422 = tpu.memref_slice %arg3[%dma_wait3A_420, %dma_wait3A_421] : memref<1000000x64xf32, #tpu.memory_space<hbm>> -> memref<1000000x64xf32, #tpu.memory_space<hbm>>
    tpu.wait_indirect_dma semaphore(%arg7 : memref<!tpu.dma_semaphore, #tpu.memory_space<semaphore_mem>>) src(%dma_wait3A_422 : memref<1000000x64xf32, #tpu.memory_space<hbm>>) dst(%dma_wait3A_412 : memref<128x64xf32, #tpu.memory_space<vmem>>)
    %add3A_423 = arith.constant 640 : i32
    %add3A_424 = arith.addi %mul3A_4, %add3A_423 : i32
    %dma_start3A_425 = arith.constant 1 : i32
    %dma_start3A_426 = arith.constant 0 : i32
    %dma_start3A_427 = arith.constant 0 : i32
    %dma_start3A_428 = tpu.memref_slice %arg6[%dma_start3A_425, %dma_start3A_426, %dma_start3A_427] : memref<2x640x64xf32, #tpu.memory_space<vmem>> -> memref<1x640x64xf32, #tpu.memory_space<vmem>>
    %dma_start3A_429 = tpu.memref_squeeze %dma_start3A_428 : memref<1x640x64xf32, #tpu.memory_space<vmem>> -> memref<640x64xf32, #tpu.memory_space<vmem>>
    %dma_start3A_430 = arith.constant 0 : i32
    %dma_start3A_431 = tpu.memref_slice %arg4[%add3A_424, %dma_start3A_430] : memref<819200x128xf32, #tpu.memory_space<hbm>> -> memref<640x64xf32, #tpu.memory_space<hbm>>
    %dma_start3A_432 = arith.constant 0 : i32
    %dma_start3A_433 = tpu.memref_slice %arg4[%add3A_424, %dma_start3A_432] : memref<819200x128xf32, #tpu.memory_space<hbm>> -> memref<640x64xf32, #tpu.memory_space<hbm>>
    %dma_start3A_434 = arith.constant 0 : i32
    %dma_start3A_435 = arith.constant 0 : i32
    %dma_start3A_436 = tpu.memref_slice %arg6[%dma_start3A_425, %dma_start3A_434, %dma_start3A_435] : memref<2x640x64xf32, #tpu.memory_space<vmem>> -> memref<1x640x64xf32, #tpu.memory_space<vmem>>
    %dma_start3A_437 = tpu.memref_squeeze %dma_start3A_436 : memref<1x640x64xf32, #tpu.memory_space<vmem>> -> memref<640x64xf32, #tpu.memory_space<vmem>>
    tpu.enqueue_dma source(%dma_start3A_437 : memref<640x64xf32, #tpu.memory_space<vmem>>) target(%dma_start3A_433 : memref<640x64xf32, #tpu.memory_space<hbm>>) target_semaphore(%arg9 : memref<!tpu.dma_semaphore, #tpu.memory_space<semaphore_mem>>)
    %scan3A = arith.constant 0 : i32
    %scan3A_438 = arith.constant 1 : i32
    %scan3A_439 = arith.constant 19 : i32
    %scan3A_440 = arith.addi %scan3A_438, %scan3A_439 : i32
    %scan3A_441 = arith.constant 1 : i32
    %scan3A_442 = scf.for %scan3A_474 = %scan3A_438 to %scan3A_440 step %scan3A_441 iter_args(%scan3A_475 = %scan3A) -> (i32)  : i32 {
      %mul3A_476 = arith.constant 2 : i32
      %mul3A_477 = arith.muli %scan3A_474, %mul3A_476 : i32
      %add3A_478 = arith.constant 0 : i32
      %add3A_479 = arith.addi %mul3A_477, %add3A_478 : i32
      %dma_wait3A_480 = arith.constant 0 : i32
      %dma_wait3A_481 = arith.constant 0 : i32
      %dma_wait3A_482 = arith.constant 0 : i32
      %dma_wait3A_483 = tpu.memref_slice %arg6[%dma_wait3A_480, %dma_wait3A_481, %dma_wait3A_482] : memref<2x640x64xf32, #tpu.memory_space<vmem>> -> memref<1x640x64xf32, #tpu.memory_space<vmem>>
      %dma_wait3A_484 = tpu.memref_squeeze %dma_wait3A_483 : memref<1x640x64xf32, #tpu.memory_space<vmem>> -> memref<640x64xf32, #tpu.memory_space<vmem>>
      %dma_wait3A_485 = arith.constant 0 : i32
      %dma_wait3A_486 = arith.constant 0 : i32
      %dma_wait3A_487 = tpu.memref_slice %arg4[%dma_wait3A_485, %dma_wait3A_486] : memref<819200x128xf32, #tpu.memory_space<hbm>> -> memref<640x64xf32, #tpu.memory_space<hbm>>
      %dma_wait3A_488 = arith.constant 0 : i32
      %dma_wait3A_489 = arith.constant 0 : i32
      %dma_wait3A_490 = tpu.memref_slice %arg4[%dma_wait3A_488, %dma_wait3A_489] : memref<819200x128xf32, #tpu.memory_space<hbm>> -> memref<640x64xf32, #tpu.memory_space<hbm>>
      %dma_wait3A_491 = arith.constant 0 : i32
      %dma_wait3A_492 = arith.constant 0 : i32
      %dma_wait3A_493 = tpu.memref_slice %arg6[%dma_wait3A_480, %dma_wait3A_491, %dma_wait3A_492] : memref<2x640x64xf32, #tpu.memory_space<vmem>> -> memref<1x640x64xf32, #tpu.memory_space<vmem>>
      %dma_wait3A_494 = tpu.memref_squeeze %dma_wait3A_493 : memref<1x640x64xf32, #tpu.memory_space<vmem>> -> memref<640x64xf32, #tpu.memory_space<vmem>>
      tpu.wait_dma2 semaphore(%arg8 : memref<!tpu.dma_semaphore, #tpu.memory_space<semaphore_mem>>) src(%dma_wait3A_494 : memref<640x64xf32, #tpu.memory_space<vmem>>) dst(%dma_wait3A_490 : memref<640x64xf32, #tpu.memory_space<hbm>>)
      %mul3A_495 = arith.constant 5 : i32
      %mul3A_496 = arith.muli %add3A_479, %mul3A_495 : i32
      %add3A_497 = arith.addi %mul3A_2, %mul3A_496 : i32
      %run_scoped3A_498 = arith.constant 0 : i32
      "tpu.region"() ({
        %run_scoped3A_955 = tpu.sem_alloc : memref<!tpu.dma_semaphore, #tpu.memory_space<semaphore_mem>>
        %dma_start3A_956 = arith.constant 0 : i32
        %dma_start3A_957 = arith.constant 0 : i32
        %dma_start3A_958 = tpu.memref_slice %arg5[%run_scoped3A_498, %dma_start3A_956, %dma_start3A_957] : memref<2x5x128xi32, #tpu.memory_space<vmem>> -> memref<1x5x128xi32, #tpu.memory_space<vmem>>
        %dma_start3A_959 = tpu.memref_squeeze %dma_start3A_958 : memref<1x5x128xi32, #tpu.memory_space<vmem>> -> memref<5x128xi32, #tpu.memory_space<vmem>>
        %dma_start3A_960 = arith.constant 0 : i32
        %dma_start3A_961 = tpu.memref_slice %arg2[%add3A_497, %dma_start3A_960] : memref<6400x128xi32, #tpu.memory_space<hbm>> -> memref<5x128xi32, #tpu.memory_space<hbm>>
        %dma_start3A_962 = arith.constant 0 : i32
        %dma_start3A_963 = arith.constant 0 : i32
        %dma_start3A_964 = tpu.memref_slice %arg5[%run_scoped3A_498, %dma_start3A_962, %dma_start3A_963] : memref<2x5x128xi32, #tpu.memory_space<vmem>> -> memref<1x5x128xi32, #tpu.memory_space<vmem>>
        %dma_start3A_965 = tpu.memref_squeeze %dma_start3A_964 : memref<1x5x128xi32, #tpu.memory_space<vmem>> -> memref<5x128xi32, #tpu.memory_space<vmem>>
        %dma_start3A_966 = arith.constant 0 : i32
        %dma_start3A_967 = tpu.memref_slice %arg2[%add3A_497, %dma_start3A_966] : memref<6400x128xi32, #tpu.memory_space<hbm>> -> memref<5x128xi32, #tpu.memory_space<hbm>>
        tpu.enqueue_dma source(%dma_start3A_967 : memref<5x128xi32, #tpu.memory_space<hbm>>) target(%dma_start3A_965 : memref<5x128xi32, #tpu.memory_space<vmem>>) target_semaphore(%run_scoped3A_955 : memref<!tpu.dma_semaphore, #tpu.memory_space<semaphore_mem>>)
        %dma_wait3A_968 = arith.constant 0 : i32
        %dma_wait3A_969 = arith.constant 0 : i32
        %dma_wait3A_970 = tpu.memref_slice %arg5[%run_scoped3A_498, %dma_wait3A_968, %dma_wait3A_969] : memref<2x5x128xi32, #tpu.memory_space<vmem>> -> memref<1x5x128xi32, #tpu.memory_space<vmem>>
        %dma_wait3A_971 = tpu.memref_squeeze %dma_wait3A_970 : memref<1x5x128xi32, #tpu.memory_space<vmem>> -> memref<5x128xi32, #tpu.memory_space<vmem>>
        %dma_wait3A_972 = arith.constant 0 : i32
        %dma_wait3A_973 = tpu.memref_slice %arg2[%add3A_497, %dma_wait3A_972] : memref<6400x128xi32, #tpu.memory_space<hbm>> -> memref<5x128xi32, #tpu.memory_space<hbm>>
        %dma_wait3A_974 = arith.constant 0 : i32
        %dma_wait3A_975 = arith.constant 0 : i32
        %dma_wait3A_976 = tpu.memref_slice %arg5[%run_scoped3A_498, %dma_wait3A_974, %dma_wait3A_975] : memref<2x5x128xi32, #tpu.memory_space<vmem>> -> memref<1x5x128xi32, #tpu.memory_space<vmem>>
        %dma_wait3A_977 = tpu.memref_squeeze %dma_wait3A_976 : memref<1x5x128xi32, #tpu.memory_space<vmem>> -> memref<5x128xi32, #tpu.memory_space<vmem>>
        %dma_wait3A_978 = arith.constant 0 : i32
        %dma_wait3A_979 = tpu.memref_slice %arg2[%add3A_497, %dma_wait3A_978] : memref<6400x128xi32, #tpu.memory_space<hbm>> -> memref<5x128xi32, #tpu.memory_space<hbm>>
        tpu.wait_dma2 semaphore(%run_scoped3A_955 : memref<!tpu.dma_semaphore, #tpu.memory_space<semaphore_mem>>) src(%dma_wait3A_979 : memref<5x128xi32, #tpu.memory_space<hbm>>) dst(%dma_wait3A_977 : memref<5x128xi32, #tpu.memory_space<vmem>>)
        tpu.yield
      }) : () -> ()
      %dma_start3A_499 = arith.constant 0 : i32
      %dma_start3A_500 = arith.constant 0 : i32
      %dma_start3A_501 = arith.constant 0 : i32
      %dma_start3A_502 = arith.constant 0 : i32
      %dma_start3A_503 = arith.constant 0 : i32
      %dma_start3A_504 = tpu.memref_slice %arg6[%dma_start3A_501, %dma_start3A_502, %dma_start3A_503] : memref<2x640x64xf32, #tpu.memory_space<vmem>> -> memref<1x640x64xf32, #tpu.memory_space<vmem>>
      %dma_start3A_505 = tpu.memref_squeeze %dma_start3A_504 : memref<1x640x64xf32, #tpu.memory_space<vmem>> -> memref<640x64xf32, #tpu.memory_space<vmem>>
      %dma_start3A_506 = arith.constant 0 : i32
      %dma_start3A_507 = arith.constant 0 : i32
      %dma_start3A_508 = tpu.memref_slice %dma_start3A_505[%dma_start3A_506, %dma_start3A_507] : memref<640x64xf32, #tpu.memory_space<vmem>> -> memref<128x64xf32, #tpu.memory_space<vmem>>
      %dma_start3A_509 = arith.constant 0 : i32
      %dma_start3A_510 = arith.constant 0 : i32
      %dma_start3A_511 = tpu.memref_slice %arg5[%dma_start3A_499, %dma_start3A_509, %dma_start3A_510] : memref<2x5x128xi32, #tpu.memory_space<vmem>> -> memref<1x5x128xi32, #tpu.memory_space<vmem>>
      %dma_start3A_512 = tpu.memref_squeeze %dma_start3A_511 : memref<1x5x128xi32, #tpu.memory_space<vmem>> -> memref<5x128xi32, #tpu.memory_space<vmem>>
      %dma_start3A_513 = arith.constant 0 : i32
      %dma_start3A_514 = tpu.memref_slice %dma_start3A_512[%dma_start3A_500, %dma_start3A_513] : memref<5x128xi32, #tpu.memory_space<vmem>> -> memref<1x128xi32, #tpu.memory_space<vmem>>
      %dma_start3A_515 = tpu.memref_squeeze %dma_start3A_514 : memref<1x128xi32, #tpu.memory_space<vmem>> -> memref<128xi32, #tpu.memory_space<vmem>>
      %dma_start3A_516 = arith.constant 0 : i32
      %dma_start3A_517 = arith.constant 0 : i32
      %dma_start3A_518 = tpu.memref_slice %arg3[%dma_start3A_516, %dma_start3A_517] : memref<1000000x64xf32, #tpu.memory_space<hbm>> -> memref<1000000x64xf32, #tpu.memory_space<hbm>>
      tpu.enqueue_indirect_dma source(%dma_start3A_518 : memref<1000000x64xf32, #tpu.memory_space<hbm>>) target(%dma_start3A_508 : memref<128x64xf32, #tpu.memory_space<vmem>>) offsets(%dma_start3A_515 : memref<128xi32, #tpu.memory_space<vmem>>) semaphore(%arg7 : memref<!tpu.dma_semaphore, #tpu.memory_space<semaphore_mem>>)
      %dma_start3A_519 = arith.constant 0 : i32
      %dma_start3A_520 = arith.constant 1 : i32
      %dma_start3A_521 = arith.constant 0 : i32
      %dma_start3A_522 = arith.constant 0 : i32
      %dma_start3A_523 = arith.constant 0 : i32
      %dma_start3A_524 = tpu.memref_slice %arg6[%dma_start3A_521, %dma_start3A_522, %dma_start3A_523] : memref<2x640x64xf32, #tpu.memory_space<vmem>> -> memref<1x640x64xf32, #tpu.memory_space<vmem>>
      %dma_start3A_525 = tpu.memref_squeeze %dma_start3A_524 : memref<1x640x64xf32, #tpu.memory_space<vmem>> -> memref<640x64xf32, #tpu.memory_space<vmem>>
      %dma_start3A_526 = arith.constant 128 : i32
      %dma_start3A_527 = arith.constant 0 : i32
      %dma_start3A_528 = tpu.memref_slice %dma_start3A_525[%dma_start3A_526, %dma_start3A_527] : memref<640x64xf32, #tpu.memory_space<vmem>> -> memref<128x64xf32, #tpu.memory_space<vmem>>
      %dma_start3A_529 = arith.constant 0 : i32
      %dma_start3A_530 = arith.constant 0 : i32
      %dma_start3A_531 = tpu.memref_slice %arg5[%dma_start3A_519, %dma_start3A_529, %dma_start3A_530] : memref<2x5x128xi32, #tpu.memory_space<vmem>> -> memref<1x5x128xi32, #tpu.memory_space<vmem>>
      %dma_start3A_532 = tpu.memref_squeeze %dma_start3A_531 : memref<1x5x128xi32, #tpu.memory_space<vmem>> -> memref<5x128xi32, #tpu.memory_space<vmem>>
      %dma_start3A_533 = arith.constant 0 : i32
      %dma_start3A_534 = tpu.memref_slice %dma_start3A_532[%dma_start3A_520, %dma_start3A_533] : memref<5x128xi32, #tpu.memory_space<vmem>> -> memref<1x128xi32, #tpu.memory_space<vmem>>
      %dma_start3A_535 = tpu.memref_squeeze %dma_start3A_534 : memref<1x128xi32, #tpu.memory_space<vmem>> -> memref<128xi32, #tpu.memory_space<vmem>>
      %dma_start3A_536 = arith.constant 0 : i32
      %dma_start3A_537 = arith.constant 0 : i32
      %dma_start3A_538 = tpu.memref_slice %arg3[%dma_start3A_536, %dma_start3A_537] : memref<1000000x64xf32, #tpu.memory_space<hbm>> -> memref<1000000x64xf32, #tpu.memory_space<hbm>>
      tpu.enqueue_indirect_dma source(%dma_start3A_538 : memref<1000000x64xf32, #tpu.memory_space<hbm>>) target(%dma_start3A_528 : memref<128x64xf32, #tpu.memory_space<vmem>>) offsets(%dma_start3A_535 : memref<128xi32, #tpu.memory_space<vmem>>) semaphore(%arg7 : memref<!tpu.dma_semaphore, #tpu.memory_space<semaphore_mem>>)
      %dma_start3A_539 = arith.constant 0 : i32
      %dma_start3A_540 = arith.constant 2 : i32
      %dma_start3A_541 = arith.constant 0 : i32
      %dma_start3A_542 = arith.constant 0 : i32
      %dma_start3A_543 = arith.constant 0 : i32
      %dma_start3A_544 = tpu.memref_slice %arg6[%dma_start3A_541, %dma_start3A_542, %dma_start3A_543] : memref<2x640x64xf32, #tpu.memory_space<vmem>> -> memref<1x640x64xf32, #tpu.memory_space<vmem>>
      %dma_start3A_545 = tpu.memref_squeeze %dma_start3A_544 : memref<1x640x64xf32, #tpu.memory_space<vmem>> -> memref<640x64xf32, #tpu.memory_space<vmem>>
      %dma_start3A_546 = arith.constant 256 : i32
      %dma_start3A_547 = arith.constant 0 : i32
      %dma_start3A_548 = tpu.memref_slice %dma_start3A_545[%dma_start3A_546, %dma_start3A_547] : memref<640x64xf32, #tpu.memory_space<vmem>> -> memref<128x64xf32, #tpu.memory_space<vmem>>
      %dma_start3A_549 = arith.constant 0 : i32
      %dma_start3A_550 = arith.constant 0 : i32
      %dma_start3A_551 = tpu.memref_slice %arg5[%dma_start3A_539, %dma_start3A_549, %dma_start3A_550] : memref<2x5x128xi32, #tpu.memory_space<vmem>> -> memref<1x5x128xi32, #tpu.memory_space<vmem>>
      %dma_start3A_552 = tpu.memref_squeeze %dma_start3A_551 : memref<1x5x128xi32, #tpu.memory_space<vmem>> -> memref<5x128xi32, #tpu.memory_space<vmem>>
      %dma_start3A_553 = arith.constant 0 : i32
      %dma_start3A_554 = tpu.memref_slice %dma_start3A_552[%dma_start3A_540, %dma_start3A_553] : memref<5x128xi32, #tpu.memory_space<vmem>> -> memref<1x128xi32, #tpu.memory_space<vmem>>
      %dma_start3A_555 = tpu.memref_squeeze %dma_start3A_554 : memref<1x128xi32, #tpu.memory_space<vmem>> -> memref<128xi32, #tpu.memory_space<vmem>>
      %dma_start3A_556 = arith.constant 0 : i32
      %dma_start3A_557 = arith.constant 0 : i32
      %dma_start3A_558 = tpu.memref_slice %arg3[%dma_start3A_556, %dma_start3A_557] : memref<1000000x64xf32, #tpu.memory_space<hbm>> -> memref<1000000x64xf32, #tpu.memory_space<hbm>>
      tpu.enqueue_indirect_dma source(%dma_start3A_558 : memref<1000000x64xf32, #tpu.memory_space<hbm>>) target(%dma_start3A_548 : memref<128x64xf32, #tpu.memory_space<vmem>>) offsets(%dma_start3A_555 : memref<128xi32, #tpu.memory_space<vmem>>) semaphore(%arg7 : memref<!tpu.dma_semaphore, #tpu.memory_space<semaphore_mem>>)
      %dma_start3A_559 = arith.constant 0 : i32
      %dma_start3A_560 = arith.constant 3 : i32
      %dma_start3A_561 = arith.constant 0 : i32
      %dma_start3A_562 = arith.constant 0 : i32
      %dma_start3A_563 = arith.constant 0 : i32
      %dma_start3A_564 = tpu.memref_slice %arg6[%dma_start3A_561, %dma_start3A_562, %dma_start3A_563] : memref<2x640x64xf32, #tpu.memory_space<vmem>> -> memref<1x640x64xf32, #tpu.memory_space<vmem>>
      %dma_start3A_565 = tpu.memref_squeeze %dma_start3A_564 : memref<1x640x64xf32, #tpu.memory_space<vmem>> -> memref<640x64xf32, #tpu.memory_space<vmem>>
      %dma_start3A_566 = arith.constant 384 : i32
      %dma_start3A_567 = arith.constant 0 : i32
      %dma_start3A_568 = tpu.memref_slice %dma_start3A_565[%dma_start3A_566, %dma_start3A_567] : memref<640x64xf32, #tpu.memory_space<vmem>> -> memref<128x64xf32, #tpu.memory_space<vmem>>
      %dma_start3A_569 = arith.constant 0 : i32
      %dma_start3A_570 = arith.constant 0 : i32
      %dma_start3A_571 = tpu.memref_slice %arg5[%dma_start3A_559, %dma_start3A_569, %dma_start3A_570] : memref<2x5x128xi32, #tpu.memory_space<vmem>> -> memref<1x5x128xi32, #tpu.memory_space<vmem>>
      %dma_start3A_572 = tpu.memref_squeeze %dma_start3A_571 : memref<1x5x128xi32, #tpu.memory_space<vmem>> -> memref<5x128xi32, #tpu.memory_space<vmem>>
      %dma_start3A_573 = arith.constant 0 : i32
      %dma_start3A_574 = tpu.memref_slice %dma_start3A_572[%dma_start3A_560, %dma_start3A_573] : memref<5x128xi32, #tpu.memory_space<vmem>> -> memref<1x128xi32, #tpu.memory_space<vmem>>
      %dma_start3A_575 = tpu.memref_squeeze %dma_start3A_574 : memref<1x128xi32, #tpu.memory_space<vmem>> -> memref<128xi32, #tpu.memory_space<vmem>>
      %dma_start3A_576 = arith.constant 0 : i32
      %dma_start3A_577 = arith.constant 0 : i32
      %dma_start3A_578 = tpu.memref_slice %arg3[%dma_start3A_576, %dma_start3A_577] : memref<1000000x64xf32, #tpu.memory_space<hbm>> -> memref<1000000x64xf32, #tpu.memory_space<hbm>>
      tpu.enqueue_indirect_dma source(%dma_start3A_578 : memref<1000000x64xf32, #tpu.memory_space<hbm>>) target(%dma_start3A_568 : memref<128x64xf32, #tpu.memory_space<vmem>>) offsets(%dma_start3A_575 : memref<128xi32, #tpu.memory_space<vmem>>) semaphore(%arg7 : memref<!tpu.dma_semaphore, #tpu.memory_space<semaphore_mem>>)
      %dma_start3A_579 = arith.constant 0 : i32
      %dma_start3A_580 = arith.constant 4 : i32
      %dma_start3A_581 = arith.constant 0 : i32
      %dma_start3A_582 = arith.constant 0 : i32
      %dma_start3A_583 = arith.constant 0 : i32
      %dma_start3A_584 = tpu.memref_slice %arg6[%dma_start3A_581, %dma_start3A_582, %dma_start3A_583] : memref<2x640x64xf32, #tpu.memory_space<vmem>> -> memref<1x640x64xf32, #tpu.memory_space<vmem>>
      %dma_start3A_585 = tpu.memref_squeeze %dma_start3A_584 : memref<1x640x64xf32, #tpu.memory_space<vmem>> -> memref<640x64xf32, #tpu.memory_space<vmem>>
      %dma_start3A_586 = arith.constant 512 : i32
      %dma_start3A_587 = arith.constant 0 : i32
      %dma_start3A_588 = tpu.memref_slice %dma_start3A_585[%dma_start3A_586, %dma_start3A_587] : memref<640x64xf32, #tpu.memory_space<vmem>> -> memref<128x64xf32, #tpu.memory_space<vmem>>
      %dma_start3A_589 = arith.constant 0 : i32
      %dma_start3A_590 = arith.constant 0 : i32
      %dma_start3A_591 = tpu.memref_slice %arg5[%dma_start3A_579, %dma_start3A_589, %dma_start3A_590] : memref<2x5x128xi32, #tpu.memory_space<vmem>> -> memref<1x5x128xi32, #tpu.memory_space<vmem>>
      %dma_start3A_592 = tpu.memref_squeeze %dma_start3A_591 : memref<1x5x128xi32, #tpu.memory_space<vmem>> -> memref<5x128xi32, #tpu.memory_space<vmem>>
      %dma_start3A_593 = arith.constant 0 : i32
      %dma_start3A_594 = tpu.memref_slice %dma_start3A_592[%dma_start3A_580, %dma_start3A_593] : memref<5x128xi32, #tpu.memory_space<vmem>> -> memref<1x128xi32, #tpu.memory_space<vmem>>
      %dma_start3A_595 = tpu.memref_squeeze %dma_start3A_594 : memref<1x128xi32, #tpu.memory_space<vmem>> -> memref<128xi32, #tpu.memory_space<vmem>>
      %dma_start3A_596 = arith.constant 0 : i32
      %dma_start3A_597 = arith.constant 0 : i32
      %dma_start3A_598 = tpu.memref_slice %arg3[%dma_start3A_596, %dma_start3A_597] : memref<1000000x64xf32, #tpu.memory_space<hbm>> -> memref<1000000x64xf32, #tpu.memory_space<hbm>>
      tpu.enqueue_indirect_dma source(%dma_start3A_598 : memref<1000000x64xf32, #tpu.memory_space<hbm>>) target(%dma_start3A_588 : memref<128x64xf32, #tpu.memory_space<vmem>>) offsets(%dma_start3A_595 : memref<128xi32, #tpu.memory_space<vmem>>) semaphore(%arg7 : memref<!tpu.dma_semaphore, #tpu.memory_space<semaphore_mem>>)
      %dma_wait3A_599 = arith.constant 0 : i32
      %dma_wait3A_600 = arith.constant 0 : i32
      %dma_wait3A_601 = arith.constant 0 : i32
      %dma_wait3A_602 = arith.constant 0 : i32
      %dma_wait3A_603 = arith.constant 0 : i32
      %dma_wait3A_604 = tpu.memref_slice %arg6[%dma_wait3A_601, %dma_wait3A_602, %dma_wait3A_603] : memref<2x640x64xf32, #tpu.memory_space<vmem>> -> memref<1x640x64xf32, #tpu.memory_space<vmem>>
      %dma_wait3A_605 = tpu.memref_squeeze %dma_wait3A_604 : memref<1x640x64xf32, #tpu.memory_space<vmem>> -> memref<640x64xf32, #tpu.memory_space<vmem>>
      %dma_wait3A_606 = arith.constant 0 : i32
      %dma_wait3A_607 = arith.constant 0 : i32
      %dma_wait3A_608 = tpu.memref_slice %dma_wait3A_605[%dma_wait3A_606, %dma_wait3A_607] : memref<640x64xf32, #tpu.memory_space<vmem>> -> memref<128x64xf32, #tpu.memory_space<vmem>>
      %dma_wait3A_609 = arith.constant 0 : i32
      %dma_wait3A_610 = arith.constant 0 : i32
      %dma_wait3A_611 = tpu.memref_slice %arg5[%dma_wait3A_599, %dma_wait3A_609, %dma_wait3A_610] : memref<2x5x128xi32, #tpu.memory_space<vmem>> -> memref<1x5x128xi32, #tpu.memory_space<vmem>>
      %dma_wait3A_612 = tpu.memref_squeeze %dma_wait3A_611 : memref<1x5x128xi32, #tpu.memory_space<vmem>> -> memref<5x128xi32, #tpu.memory_space<vmem>>
      %dma_wait3A_613 = arith.constant 0 : i32
      %dma_wait3A_614 = tpu.memref_slice %dma_wait3A_612[%dma_wait3A_600, %dma_wait3A_613] : memref<5x128xi32, #tpu.memory_space<vmem>> -> memref<1x128xi32, #tpu.memory_space<vmem>>
      %dma_wait3A_615 = tpu.memref_squeeze %dma_wait3A_614 : memref<1x128xi32, #tpu.memory_space<vmem>> -> memref<128xi32, #tpu.memory_space<vmem>>
      %dma_wait3A_616 = arith.constant 0 : i32
      %dma_wait3A_617 = arith.constant 0 : i32
      %dma_wait3A_618 = tpu.memref_slice %arg3[%dma_wait3A_616, %dma_wait3A_617] : memref<1000000x64xf32, #tpu.memory_space<hbm>> -> memref<1000000x64xf32, #tpu.memory_space<hbm>>
      tpu.wait_indirect_dma semaphore(%arg7 : memref<!tpu.dma_semaphore, #tpu.memory_space<semaphore_mem>>) src(%dma_wait3A_618 : memref<1000000x64xf32, #tpu.memory_space<hbm>>) dst(%dma_wait3A_608 : memref<128x64xf32, #tpu.memory_space<vmem>>)
      %dma_wait3A_619 = arith.constant 0 : i32
      %dma_wait3A_620 = arith.constant 1 : i32
      %dma_wait3A_621 = arith.constant 0 : i32
      %dma_wait3A_622 = arith.constant 0 : i32
      %dma_wait3A_623 = arith.constant 0 : i32
      %dma_wait3A_624 = tpu.memref_slice %arg6[%dma_wait3A_621, %dma_wait3A_622, %dma_wait3A_623] : memref<2x640x64xf32, #tpu.memory_space<vmem>> -> memref<1x640x64xf32, #tpu.memory_space<vmem>>
      %dma_wait3A_625 = tpu.memref_squeeze %dma_wait3A_624 : memref<1x640x64xf32, #tpu.memory_space<vmem>> -> memref<640x64xf32, #tpu.memory_space<vmem>>
      %dma_wait3A_626 = arith.constant 128 : i32
      %dma_wait3A_627 = arith.constant 0 : i32
      %dma_wait3A_628 = tpu.memref_slice %dma_wait3A_625[%dma_wait3A_626, %dma_wait3A_627] : memref<640x64xf32, #tpu.memory_space<vmem>> -> memref<128x64xf32, #tpu.memory_space<vmem>>
      %dma_wait3A_629 = arith.constant 0 : i32
      %dma_wait3A_630 = arith.constant 0 : i32
      %dma_wait3A_631 = tpu.memref_slice %arg5[%dma_wait3A_619, %dma_wait3A_629, %dma_wait3A_630] : memref<2x5x128xi32, #tpu.memory_space<vmem>> -> memref<1x5x128xi32, #tpu.memory_space<vmem>>
      %dma_wait3A_632 = tpu.memref_squeeze %dma_wait3A_631 : memref<1x5x128xi32, #tpu.memory_space<vmem>> -> memref<5x128xi32, #tpu.memory_space<vmem>>
      %dma_wait3A_633 = arith.constant 0 : i32
      %dma_wait3A_634 = tpu.memref_slice %dma_wait3A_632[%dma_wait3A_620, %dma_wait3A_633] : memref<5x128xi32, #tpu.memory_space<vmem>> -> memref<1x128xi32, #tpu.memory_space<vmem>>
      %dma_wait3A_635 = tpu.memref_squeeze %dma_wait3A_634 : memref<1x128xi32, #tpu.memory_space<vmem>> -> memref<128xi32, #tpu.memory_space<vmem>>
      %dma_wait3A_636 = arith.constant 0 : i32
      %dma_wait3A_637 = arith.constant 0 : i32
      %dma_wait3A_638 = tpu.memref_slice %arg3[%dma_wait3A_636, %dma_wait3A_637] : memref<1000000x64xf32, #tpu.memory_space<hbm>> -> memref<1000000x64xf32, #tpu.memory_space<hbm>>
      tpu.wait_indirect_dma semaphore(%arg7 : memref<!tpu.dma_semaphore, #tpu.memory_space<semaphore_mem>>) src(%dma_wait3A_638 : memref<1000000x64xf32, #tpu.memory_space<hbm>>) dst(%dma_wait3A_628 : memref<128x64xf32, #tpu.memory_space<vmem>>)
      %dma_wait3A_639 = arith.constant 0 : i32
      %dma_wait3A_640 = arith.constant 2 : i32
      %dma_wait3A_641 = arith.constant 0 : i32
      %dma_wait3A_642 = arith.constant 0 : i32
      %dma_wait3A_643 = arith.constant 0 : i32
      %dma_wait3A_644 = tpu.memref_slice %arg6[%dma_wait3A_641, %dma_wait3A_642, %dma_wait3A_643] : memref<2x640x64xf32, #tpu.memory_space<vmem>> -> memref<1x640x64xf32, #tpu.memory_space<vmem>>
      %dma_wait3A_645 = tpu.memref_squeeze %dma_wait3A_644 : memref<1x640x64xf32, #tpu.memory_space<vmem>> -> memref<640x64xf32, #tpu.memory_space<vmem>>
      %dma_wait3A_646 = arith.constant 256 : i32
      %dma_wait3A_647 = arith.constant 0 : i32
      %dma_wait3A_648 = tpu.memref_slice %dma_wait3A_645[%dma_wait3A_646, %dma_wait3A_647] : memref<640x64xf32, #tpu.memory_space<vmem>> -> memref<128x64xf32, #tpu.memory_space<vmem>>
      %dma_wait3A_649 = arith.constant 0 : i32
      %dma_wait3A_650 = arith.constant 0 : i32
      %dma_wait3A_651 = tpu.memref_slice %arg5[%dma_wait3A_639, %dma_wait3A_649, %dma_wait3A_650] : memref<2x5x128xi32, #tpu.memory_space<vmem>> -> memref<1x5x128xi32, #tpu.memory_space<vmem>>
      %dma_wait3A_652 = tpu.memref_squeeze %dma_wait3A_651 : memref<1x5x128xi32, #tpu.memory_space<vmem>> -> memref<5x128xi32, #tpu.memory_space<vmem>>
      %dma_wait3A_653 = arith.constant 0 : i32
      %dma_wait3A_654 = tpu.memref_slice %dma_wait3A_652[%dma_wait3A_640, %dma_wait3A_653] : memref<5x128xi32, #tpu.memory_space<vmem>> -> memref<1x128xi32, #tpu.memory_space<vmem>>
      %dma_wait3A_655 = tpu.memref_squeeze %dma_wait3A_654 : memref<1x128xi32, #tpu.memory_space<vmem>> -> memref<128xi32, #tpu.memory_space<vmem>>
      %dma_wait3A_656 = arith.constant 0 : i32
      %dma_wait3A_657 = arith.constant 0 : i32
      %dma_wait3A_658 = tpu.memref_slice %arg3[%dma_wait3A_656, %dma_wait3A_657] : memref<1000000x64xf32, #tpu.memory_space<hbm>> -> memref<1000000x64xf32, #tpu.memory_space<hbm>>
      tpu.wait_indirect_dma semaphore(%arg7 : memref<!tpu.dma_semaphore, #tpu.memory_space<semaphore_mem>>) src(%dma_wait3A_658 : memref<1000000x64xf32, #tpu.memory_space<hbm>>) dst(%dma_wait3A_648 : memref<128x64xf32, #tpu.memory_space<vmem>>)
      %dma_wait3A_659 = arith.constant 0 : i32
      %dma_wait3A_660 = arith.constant 3 : i32
      %dma_wait3A_661 = arith.constant 0 : i32
      %dma_wait3A_662 = arith.constant 0 : i32
      %dma_wait3A_663 = arith.constant 0 : i32
      %dma_wait3A_664 = tpu.memref_slice %arg6[%dma_wait3A_661, %dma_wait3A_662, %dma_wait3A_663] : memref<2x640x64xf32, #tpu.memory_space<vmem>> -> memref<1x640x64xf32, #tpu.memory_space<vmem>>
      %dma_wait3A_665 = tpu.memref_squeeze %dma_wait3A_664 : memref<1x640x64xf32, #tpu.memory_space<vmem>> -> memref<640x64xf32, #tpu.memory_space<vmem>>
      %dma_wait3A_666 = arith.constant 384 : i32
      %dma_wait3A_667 = arith.constant 0 : i32
      %dma_wait3A_668 = tpu.memref_slice %dma_wait3A_665[%dma_wait3A_666, %dma_wait3A_667] : memref<640x64xf32, #tpu.memory_space<vmem>> -> memref<128x64xf32, #tpu.memory_space<vmem>>
      %dma_wait3A_669 = arith.constant 0 : i32
      %dma_wait3A_670 = arith.constant 0 : i32
      %dma_wait3A_671 = tpu.memref_slice %arg5[%dma_wait3A_659, %dma_wait3A_669, %dma_wait3A_670] : memref<2x5x128xi32, #tpu.memory_space<vmem>> -> memref<1x5x128xi32, #tpu.memory_space<vmem>>
      %dma_wait3A_672 = tpu.memref_squeeze %dma_wait3A_671 : memref<1x5x128xi32, #tpu.memory_space<vmem>> -> memref<5x128xi32, #tpu.memory_space<vmem>>
      %dma_wait3A_673 = arith.constant 0 : i32
      %dma_wait3A_674 = tpu.memref_slice %dma_wait3A_672[%dma_wait3A_660, %dma_wait3A_673] : memref<5x128xi32, #tpu.memory_space<vmem>> -> memref<1x128xi32, #tpu.memory_space<vmem>>
      %dma_wait3A_675 = tpu.memref_squeeze %dma_wait3A_674 : memref<1x128xi32, #tpu.memory_space<vmem>> -> memref<128xi32, #tpu.memory_space<vmem>>
      %dma_wait3A_676 = arith.constant 0 : i32
      %dma_wait3A_677 = arith.constant 0 : i32
      %dma_wait3A_678 = tpu.memref_slice %arg3[%dma_wait3A_676, %dma_wait3A_677] : memref<1000000x64xf32, #tpu.memory_space<hbm>> -> memref<1000000x64xf32, #tpu.memory_space<hbm>>
      tpu.wait_indirect_dma semaphore(%arg7 : memref<!tpu.dma_semaphore, #tpu.memory_space<semaphore_mem>>) src(%dma_wait3A_678 : memref<1000000x64xf32, #tpu.memory_space<hbm>>) dst(%dma_wait3A_668 : memref<128x64xf32, #tpu.memory_space<vmem>>)
      %dma_wait3A_679 = arith.constant 0 : i32
      %dma_wait3A_680 = arith.constant 4 : i32
      %dma_wait3A_681 = arith.constant 0 : i32
      %dma_wait3A_682 = arith.constant 0 : i32
      %dma_wait3A_683 = arith.constant 0 : i32
      %dma_wait3A_684 = tpu.memref_slice %arg6[%dma_wait3A_681, %dma_wait3A_682, %dma_wait3A_683] : memref<2x640x64xf32, #tpu.memory_space<vmem>> -> memref<1x640x64xf32, #tpu.memory_space<vmem>>
      %dma_wait3A_685 = tpu.memref_squeeze %dma_wait3A_684 : memref<1x640x64xf32, #tpu.memory_space<vmem>> -> memref<640x64xf32, #tpu.memory_space<vmem>>
      %dma_wait3A_686 = arith.constant 512 : i32
      %dma_wait3A_687 = arith.constant 0 : i32
      %dma_wait3A_688 = tpu.memref_slice %dma_wait3A_685[%dma_wait3A_686, %dma_wait3A_687] : memref<640x64xf32, #tpu.memory_space<vmem>> -> memref<128x64xf32, #tpu.memory_space<vmem>>
      %dma_wait3A_689 = arith.constant 0 : i32
      %dma_wait3A_690 = arith.constant 0 : i32
      %dma_wait3A_691 = tpu.memref_slice %arg5[%dma_wait3A_679, %dma_wait3A_689, %dma_wait3A_690] : memref<2x5x128xi32, #tpu.memory_space<vmem>> -> memref<1x5x128xi32, #tpu.memory_space<vmem>>
      %dma_wait3A_692 = tpu.memref_squeeze %dma_wait3A_691 : memref<1x5x128xi32, #tpu.memory_space<vmem>> -> memref<5x128xi32, #tpu.memory_space<vmem>>
      %dma_wait3A_693 = arith.constant 0 : i32
      %dma_wait3A_694 = tpu.memref_slice %dma_wait3A_692[%dma_wait3A_680, %dma_wait3A_693] : memref<5x128xi32, #tpu.memory_space<vmem>> -> memref<1x128xi32, #tpu.memory_space<vmem>>
      %dma_wait3A_695 = tpu.memref_squeeze %dma_wait3A_694 : memref<1x128xi32, #tpu.memory_space<vmem>> -> memref<128xi32, #tpu.memory_space<vmem>>
      %dma_wait3A_696 = arith.constant 0 : i32
      %dma_wait3A_697 = arith.constant 0 : i32
      %dma_wait3A_698 = tpu.memref_slice %arg3[%dma_wait3A_696, %dma_wait3A_697] : memref<1000000x64xf32, #tpu.memory_space<hbm>> -> memref<1000000x64xf32, #tpu.memory_space<hbm>>
      tpu.wait_indirect_dma semaphore(%arg7 : memref<!tpu.dma_semaphore, #tpu.memory_space<semaphore_mem>>) src(%dma_wait3A_698 : memref<1000000x64xf32, #tpu.memory_space<hbm>>) dst(%dma_wait3A_688 : memref<128x64xf32, #tpu.memory_space<vmem>>)
      %mul3A_699 = arith.constant 640 : i32
      %mul3A_700 = arith.muli %add3A_479, %mul3A_699 : i32
      %add3A_701 = arith.addi %mul3A_4, %mul3A_700 : i32
      %dma_start3A_702 = arith.constant 0 : i32
      %dma_start3A_703 = arith.constant 0 : i32
      %dma_start3A_704 = arith.constant 0 : i32
      %dma_start3A_705 = tpu.memref_slice %arg6[%dma_start3A_702, %dma_start3A_703, %dma_start3A_704] : memref<2x640x64xf32, #tpu.memory_space<vmem>> -> memref<1x640x64xf32, #tpu.memory_space<vmem>>
      %dma_start3A_706 = tpu.memref_squeeze %dma_start3A_705 : memref<1x640x64xf32, #tpu.memory_space<vmem>> -> memref<640x64xf32, #tpu.memory_space<vmem>>
      %dma_start3A_707 = arith.constant 0 : i32
      %dma_start3A_708 = tpu.memref_slice %arg4[%add3A_701, %dma_start3A_707] : memref<819200x128xf32, #tpu.memory_space<hbm>> -> memref<640x64xf32, #tpu.memory_space<hbm>>
      %dma_start3A_709 = arith.constant 0 : i32
      %dma_start3A_710 = tpu.memref_slice %arg4[%add3A_701, %dma_start3A_709] : memref<819200x128xf32, #tpu.memory_space<hbm>> -> memref<640x64xf32, #tpu.memory_space<hbm>>
      %dma_start3A_711 = arith.constant 0 : i32
      %dma_start3A_712 = arith.constant 0 : i32
      %dma_start3A_713 = tpu.memref_slice %arg6[%dma_start3A_702, %dma_start3A_711, %dma_start3A_712] : memref<2x640x64xf32, #tpu.memory_space<vmem>> -> memref<1x640x64xf32, #tpu.memory_space<vmem>>
      %dma_start3A_714 = tpu.memref_squeeze %dma_start3A_713 : memref<1x640x64xf32, #tpu.memory_space<vmem>> -> memref<640x64xf32, #tpu.memory_space<vmem>>
      tpu.enqueue_dma source(%dma_start3A_714 : memref<640x64xf32, #tpu.memory_space<vmem>>) target(%dma_start3A_710 : memref<640x64xf32, #tpu.memory_space<hbm>>) target_semaphore(%arg8 : memref<!tpu.dma_semaphore, #tpu.memory_space<semaphore_mem>>)
      %mul3A_715 = arith.constant 2 : i32
      %mul3A_716 = arith.muli %scan3A_474, %mul3A_715 : i32
      %add3A_717 = arith.constant 1 : i32
      %add3A_718 = arith.addi %mul3A_716, %add3A_717 : i32
      %dma_wait3A_719 = arith.constant 1 : i32
      %dma_wait3A_720 = arith.constant 0 : i32
      %dma_wait3A_721 = arith.constant 0 : i32
      %dma_wait3A_722 = tpu.memref_slice %arg6[%dma_wait3A_719, %dma_wait3A_720, %dma_wait3A_721] : memref<2x640x64xf32, #tpu.memory_space<vmem>> -> memref<1x640x64xf32, #tpu.memory_space<vmem>>
      %dma_wait3A_723 = tpu.memref_squeeze %dma_wait3A_722 : memref<1x640x64xf32, #tpu.memory_space<vmem>> -> memref<640x64xf32, #tpu.memory_space<vmem>>
      %dma_wait3A_724 = arith.constant 0 : i32
      %dma_wait3A_725 = arith.constant 0 : i32
      %dma_wait3A_726 = tpu.memref_slice %arg4[%dma_wait3A_724, %dma_wait3A_725] : memref<819200x128xf32, #tpu.memory_space<hbm>> -> memref<640x64xf32, #tpu.memory_space<hbm>>
      %dma_wait3A_727 = arith.constant 0 : i32
      %dma_wait3A_728 = arith.constant 0 : i32
      %dma_wait3A_729 = tpu.memref_slice %arg4[%dma_wait3A_727, %dma_wait3A_728] : memref<819200x128xf32, #tpu.memory_space<hbm>> -> memref<640x64xf32, #tpu.memory_space<hbm>>
      %dma_wait3A_730 = arith.constant 0 : i32
      %dma_wait3A_731 = arith.constant 0 : i32
      %dma_wait3A_732 = tpu.memref_slice %arg6[%dma_wait3A_719, %dma_wait3A_730, %dma_wait3A_731] : memref<2x640x64xf32, #tpu.memory_space<vmem>> -> memref<1x640x64xf32, #tpu.memory_space<vmem>>
      %dma_wait3A_733 = tpu.memref_squeeze %dma_wait3A_732 : memref<1x640x64xf32, #tpu.memory_space<vmem>> -> memref<640x64xf32, #tpu.memory_space<vmem>>
      tpu.wait_dma2 semaphore(%arg9 : memref<!tpu.dma_semaphore, #tpu.memory_space<semaphore_mem>>) src(%dma_wait3A_733 : memref<640x64xf32, #tpu.memory_space<vmem>>) dst(%dma_wait3A_729 : memref<640x64xf32, #tpu.memory_space<hbm>>)
      %mul3A_734 = arith.constant 5 : i32
      %mul3A_735 = arith.muli %add3A_718, %mul3A_734 : i32
      %add3A_736 = arith.addi %mul3A_2, %mul3A_735 : i32
      %run_scoped3A_737 = arith.constant 1 : i32
      "tpu.region"() ({
        %run_scoped3A_955 = tpu.sem_alloc : memref<!tpu.dma_semaphore, #tpu.memory_space<semaphore_mem>>
        %dma_start3A_956 = arith.constant 0 : i32
        %dma_start3A_957 = arith.constant 0 : i32
        %dma_start3A_958 = tpu.memref_slice %arg5[%run_scoped3A_737, %dma_start3A_956, %dma_start3A_957] : memref<2x5x128xi32, #tpu.memory_space<vmem>> -> memref<1x5x128xi32, #tpu.memory_space<vmem>>
        %dma_start3A_959 = tpu.memref_squeeze %dma_start3A_958 : memref<1x5x128xi32, #tpu.memory_space<vmem>> -> memref<5x128xi32, #tpu.memory_space<vmem>>
        %dma_start3A_960 = arith.constant 0 : i32
        %dma_start3A_961 = tpu.memref_slice %arg2[%add3A_736, %dma_start3A_960] : memref<6400x128xi32, #tpu.memory_space<hbm>> -> memref<5x128xi32, #tpu.memory_space<hbm>>
        %dma_start3A_962 = arith.constant 0 : i32
        %dma_start3A_963 = arith.constant 0 : i32
        %dma_start3A_964 = tpu.memref_slice %arg5[%run_scoped3A_737, %dma_start3A_962, %dma_start3A_963] : memref<2x5x128xi32, #tpu.memory_space<vmem>> -> memref<1x5x128xi32, #tpu.memory_space<vmem>>
        %dma_start3A_965 = tpu.memref_squeeze %dma_start3A_964 : memref<1x5x128xi32, #tpu.memory_space<vmem>> -> memref<5x128xi32, #tpu.memory_space<vmem>>
        %dma_start3A_966 = arith.constant 0 : i32
        %dma_start3A_967 = tpu.memref_slice %arg2[%add3A_736, %dma_start3A_966] : memref<6400x128xi32, #tpu.memory_space<hbm>> -> memref<5x128xi32, #tpu.memory_space<hbm>>
        tpu.enqueue_dma source(%dma_start3A_967 : memref<5x128xi32, #tpu.memory_space<hbm>>) target(%dma_start3A_965 : memref<5x128xi32, #tpu.memory_space<vmem>>) target_semaphore(%run_scoped3A_955 : memref<!tpu.dma_semaphore, #tpu.memory_space<semaphore_mem>>)
        %dma_wait3A_968 = arith.constant 0 : i32
        %dma_wait3A_969 = arith.constant 0 : i32
        %dma_wait3A_970 = tpu.memref_slice %arg5[%run_scoped3A_737, %dma_wait3A_968, %dma_wait3A_969] : memref<2x5x128xi32, #tpu.memory_space<vmem>> -> memref<1x5x128xi32, #tpu.memory_space<vmem>>
        %dma_wait3A_971 = tpu.memref_squeeze %dma_wait3A_970 : memref<1x5x128xi32, #tpu.memory_space<vmem>> -> memref<5x128xi32, #tpu.memory_space<vmem>>
        %dma_wait3A_972 = arith.constant 0 : i32
        %dma_wait3A_973 = tpu.memref_slice %arg2[%add3A_736, %dma_wait3A_972] : memref<6400x128xi32, #tpu.memory_space<hbm>> -> memref<5x128xi32, #tpu.memory_space<hbm>>
        %dma_wait3A_974 = arith.constant 0 : i32
        %dma_wait3A_975 = arith.constant 0 : i32
        %dma_wait3A_976 = tpu.memref_slice %arg5[%run_scoped3A_737, %dma_wait3A_974, %dma_wait3A_975] : memref<2x5x128xi32, #tpu.memory_space<vmem>> -> memref<1x5x128xi32, #tpu.memory_space<vmem>>
        %dma_wait3A_977 = tpu.memref_squeeze %dma_wait3A_976 : memref<1x5x128xi32, #tpu.memory_space<vmem>> -> memref<5x128xi32, #tpu.memory_space<vmem>>
        %dma_wait3A_978 = arith.constant 0 : i32
        %dma_wait3A_979 = tpu.memref_slice %arg2[%add3A_736, %dma_wait3A_978] : memref<6400x128xi32, #tpu.memory_space<hbm>> -> memref<5x128xi32, #tpu.memory_space<hbm>>
        tpu.wait_dma2 semaphore(%run_scoped3A_955 : memref<!tpu.dma_semaphore, #tpu.memory_space<semaphore_mem>>) src(%dma_wait3A_979 : memref<5x128xi32, #tpu.memory_space<hbm>>) dst(%dma_wait3A_977 : memref<5x128xi32, #tpu.memory_space<vmem>>)
        tpu.yield
      }) : () -> ()
      %dma_start3A_738 = arith.constant 1 : i32
      %dma_start3A_739 = arith.constant 0 : i32
      %dma_start3A_740 = arith.constant 1 : i32
      %dma_start3A_741 = arith.constant 0 : i32
      %dma_start3A_742 = arith.constant 0 : i32
      %dma_start3A_743 = tpu.memref_slice %arg6[%dma_start3A_740, %dma_start3A_741, %dma_start3A_742] : memref<2x640x64xf32, #tpu.memory_space<vmem>> -> memref<1x640x64xf32, #tpu.memory_space<vmem>>
      %dma_start3A_744 = tpu.memref_squeeze %dma_start3A_743 : memref<1x640x64xf32, #tpu.memory_space<vmem>> -> memref<640x64xf32, #tpu.memory_space<vmem>>
      %dma_start3A_745 = arith.constant 0 : i32
      %dma_start3A_746 = arith.constant 0 : i32
      %dma_start3A_747 = tpu.memref_slice %dma_start3A_744[%dma_start3A_745, %dma_start3A_746] : memref<640x64xf32, #tpu.memory_space<vmem>> -> memref<128x64xf32, #tpu.memory_space<vmem>>
      %dma_start3A_748 = arith.constant 0 : i32
      %dma_start3A_749 = arith.constant 0 : i32
      %dma_start3A_750 = tpu.memref_slice %arg5[%dma_start3A_738, %dma_start3A_748, %dma_start3A_749] : memref<2x5x128xi32, #tpu.memory_space<vmem>> -> memref<1x5x128xi32, #tpu.memory_space<vmem>>
      %dma_start3A_751 = tpu.memref_squeeze %dma_start3A_750 : memref<1x5x128xi32, #tpu.memory_space<vmem>> -> memref<5x128xi32, #tpu.memory_space<vmem>>
      %dma_start3A_752 = arith.constant 0 : i32
      %dma_start3A_753 = tpu.memref_slice %dma_start3A_751[%dma_start3A_739, %dma_start3A_752] : memref<5x128xi32, #tpu.memory_space<vmem>> -> memref<1x128xi32, #tpu.memory_space<vmem>>
      %dma_start3A_754 = tpu.memref_squeeze %dma_start3A_753 : memref<1x128xi32, #tpu.memory_space<vmem>> -> memref<128xi32, #tpu.memory_space<vmem>>
      %dma_start3A_755 = arith.constant 0 : i32
      %dma_start3A_756 = arith.constant 0 : i32
      %dma_start3A_757 = tpu.memref_slice %arg3[%dma_start3A_755, %dma_start3A_756] : memref<1000000x64xf32, #tpu.memory_space<hbm>> -> memref<1000000x64xf32, #tpu.memory_space<hbm>>
      tpu.enqueue_indirect_dma source(%dma_start3A_757 : memref<1000000x64xf32, #tpu.memory_space<hbm>>) target(%dma_start3A_747 : memref<128x64xf32, #tpu.memory_space<vmem>>) offsets(%dma_start3A_754 : memref<128xi32, #tpu.memory_space<vmem>>) semaphore(%arg7 : memref<!tpu.dma_semaphore, #tpu.memory_space<semaphore_mem>>)
      %dma_start3A_758 = arith.constant 1 : i32
      %dma_start3A_759 = arith.constant 1 : i32
      %dma_start3A_760 = arith.constant 1 : i32
      %dma_start3A_761 = arith.constant 0 : i32
      %dma_start3A_762 = arith.constant 0 : i32
      %dma_start3A_763 = tpu.memref_slice %arg6[%dma_start3A_760, %dma_start3A_761, %dma_start3A_762] : memref<2x640x64xf32, #tpu.memory_space<vmem>> -> memref<1x640x64xf32, #tpu.memory_space<vmem>>
      %dma_start3A_764 = tpu.memref_squeeze %dma_start3A_763 : memref<1x640x64xf32, #tpu.memory_space<vmem>> -> memref<640x64xf32, #tpu.memory_space<vmem>>
      %dma_start3A_765 = arith.constant 128 : i32
      %dma_start3A_766 = arith.constant 0 : i32
      %dma_start3A_767 = tpu.memref_slice %dma_start3A_764[%dma_start3A_765, %dma_start3A_766] : memref<640x64xf32, #tpu.memory_space<vmem>> -> memref<128x64xf32, #tpu.memory_space<vmem>>
      %dma_start3A_768 = arith.constant 0 : i32
      %dma_start3A_769 = arith.constant 0 : i32
      %dma_start3A_770 = tpu.memref_slice %arg5[%dma_start3A_758, %dma_start3A_768, %dma_start3A_769] : memref<2x5x128xi32, #tpu.memory_space<vmem>> -> memref<1x5x128xi32, #tpu.memory_space<vmem>>
      %dma_start3A_771 = tpu.memref_squeeze %dma_start3A_770 : memref<1x5x128xi32, #tpu.memory_space<vmem>> -> memref<5x128xi32, #tpu.memory_space<vmem>>
      %dma_start3A_772 = arith.constant 0 : i32
      %dma_start3A_773 = tpu.memref_slice %dma_start3A_771[%dma_start3A_759, %dma_start3A_772] : memref<5x128xi32, #tpu.memory_space<vmem>> -> memref<1x128xi32, #tpu.memory_space<vmem>>
      %dma_start3A_774 = tpu.memref_squeeze %dma_start3A_773 : memref<1x128xi32, #tpu.memory_space<vmem>> -> memref<128xi32, #tpu.memory_space<vmem>>
      %dma_start3A_775 = arith.constant 0 : i32
      %dma_start3A_776 = arith.constant 0 : i32
      %dma_start3A_777 = tpu.memref_slice %arg3[%dma_start3A_775, %dma_start3A_776] : memref<1000000x64xf32, #tpu.memory_space<hbm>> -> memref<1000000x64xf32, #tpu.memory_space<hbm>>
      tpu.enqueue_indirect_dma source(%dma_start3A_777 : memref<1000000x64xf32, #tpu.memory_space<hbm>>) target(%dma_start3A_767 : memref<128x64xf32, #tpu.memory_space<vmem>>) offsets(%dma_start3A_774 : memref<128xi32, #tpu.memory_space<vmem>>) semaphore(%arg7 : memref<!tpu.dma_semaphore, #tpu.memory_space<semaphore_mem>>)
      %dma_start3A_778 = arith.constant 1 : i32
      %dma_start3A_779 = arith.constant 2 : i32
      %dma_start3A_780 = arith.constant 1 : i32
      %dma_start3A_781 = arith.constant 0 : i32
      %dma_start3A_782 = arith.constant 0 : i32
      %dma_start3A_783 = tpu.memref_slice %arg6[%dma_start3A_780, %dma_start3A_781, %dma_start3A_782] : memref<2x640x64xf32, #tpu.memory_space<vmem>> -> memref<1x640x64xf32, #tpu.memory_space<vmem>>
      %dma_start3A_784 = tpu.memref_squeeze %dma_start3A_783 : memref<1x640x64xf32, #tpu.memory_space<vmem>> -> memref<640x64xf32, #tpu.memory_space<vmem>>
      %dma_start3A_785 = arith.constant 256 : i32
      %dma_start3A_786 = arith.constant 0 : i32
      %dma_start3A_787 = tpu.memref_slice %dma_start3A_784[%dma_start3A_785, %dma_start3A_786] : memref<640x64xf32, #tpu.memory_space<vmem>> -> memref<128x64xf32, #tpu.memory_space<vmem>>
      %dma_start3A_788 = arith.constant 0 : i32
      %dma_start3A_789 = arith.constant 0 : i32
      %dma_start3A_790 = tpu.memref_slice %arg5[%dma_start3A_778, %dma_start3A_788, %dma_start3A_789] : memref<2x5x128xi32, #tpu.memory_space<vmem>> -> memref<1x5x128xi32, #tpu.memory_space<vmem>>
      %dma_start3A_791 = tpu.memref_squeeze %dma_start3A_790 : memref<1x5x128xi32, #tpu.memory_space<vmem>> -> memref<5x128xi32, #tpu.memory_space<vmem>>
      %dma_start3A_792 = arith.constant 0 : i32
      %dma_start3A_793 = tpu.memref_slice %dma_start3A_791[%dma_start3A_779, %dma_start3A_792] : memref<5x128xi32, #tpu.memory_space<vmem>> -> memref<1x128xi32, #tpu.memory_space<vmem>>
      %dma_start3A_794 = tpu.memref_squeeze %dma_start3A_793 : memref<1x128xi32, #tpu.memory_space<vmem>> -> memref<128xi32, #tpu.memory_space<vmem>>
      %dma_start3A_795 = arith.constant 0 : i32
      %dma_start3A_796 = arith.constant 0 : i32
      %dma_start3A_797 = tpu.memref_slice %arg3[%dma_start3A_795, %dma_start3A_796] : memref<1000000x64xf32, #tpu.memory_space<hbm>> -> memref<1000000x64xf32, #tpu.memory_space<hbm>>
      tpu.enqueue_indirect_dma source(%dma_start3A_797 : memref<1000000x64xf32, #tpu.memory_space<hbm>>) target(%dma_start3A_787 : memref<128x64xf32, #tpu.memory_space<vmem>>) offsets(%dma_start3A_794 : memref<128xi32, #tpu.memory_space<vmem>>) semaphore(%arg7 : memref<!tpu.dma_semaphore, #tpu.memory_space<semaphore_mem>>)
      %dma_start3A_798 = arith.constant 1 : i32
      %dma_start3A_799 = arith.constant 3 : i32
      %dma_start3A_800 = arith.constant 1 : i32
      %dma_start3A_801 = arith.constant 0 : i32
      %dma_start3A_802 = arith.constant 0 : i32
      %dma_start3A_803 = tpu.memref_slice %arg6[%dma_start3A_800, %dma_start3A_801, %dma_start3A_802] : memref<2x640x64xf32, #tpu.memory_space<vmem>> -> memref<1x640x64xf32, #tpu.memory_space<vmem>>
      %dma_start3A_804 = tpu.memref_squeeze %dma_start3A_803 : memref<1x640x64xf32, #tpu.memory_space<vmem>> -> memref<640x64xf32, #tpu.memory_space<vmem>>
      %dma_start3A_805 = arith.constant 384 : i32
      %dma_start3A_806 = arith.constant 0 : i32
      %dma_start3A_807 = tpu.memref_slice %dma_start3A_804[%dma_start3A_805, %dma_start3A_806] : memref<640x64xf32, #tpu.memory_space<vmem>> -> memref<128x64xf32, #tpu.memory_space<vmem>>
      %dma_start3A_808 = arith.constant 0 : i32
      %dma_start3A_809 = arith.constant 0 : i32
      %dma_start3A_810 = tpu.memref_slice %arg5[%dma_start3A_798, %dma_start3A_808, %dma_start3A_809] : memref<2x5x128xi32, #tpu.memory_space<vmem>> -> memref<1x5x128xi32, #tpu.memory_space<vmem>>
      %dma_start3A_811 = tpu.memref_squeeze %dma_start3A_810 : memref<1x5x128xi32, #tpu.memory_space<vmem>> -> memref<5x128xi32, #tpu.memory_space<vmem>>
      %dma_start3A_812 = arith.constant 0 : i32
      %dma_start3A_813 = tpu.memref_slice %dma_start3A_811[%dma_start3A_799, %dma_start3A_812] : memref<5x128xi32, #tpu.memory_space<vmem>> -> memref<1x128xi32, #tpu.memory_space<vmem>>
      %dma_start3A_814 = tpu.memref_squeeze %dma_start3A_813 : memref<1x128xi32, #tpu.memory_space<vmem>> -> memref<128xi32, #tpu.memory_space<vmem>>
      %dma_start3A_815 = arith.constant 0 : i32
      %dma_start3A_816 = arith.constant 0 : i32
      %dma_start3A_817 = tpu.memref_slice %arg3[%dma_start3A_815, %dma_start3A_816] : memref<1000000x64xf32, #tpu.memory_space<hbm>> -> memref<1000000x64xf32, #tpu.memory_space<hbm>>
      tpu.enqueue_indirect_dma source(%dma_start3A_817 : memref<1000000x64xf32, #tpu.memory_space<hbm>>) target(%dma_start3A_807 : memref<128x64xf32, #tpu.memory_space<vmem>>) offsets(%dma_start3A_814 : memref<128xi32, #tpu.memory_space<vmem>>) semaphore(%arg7 : memref<!tpu.dma_semaphore, #tpu.memory_space<semaphore_mem>>)
      %dma_start3A_818 = arith.constant 1 : i32
      %dma_start3A_819 = arith.constant 4 : i32
      %dma_start3A_820 = arith.constant 1 : i32
      %dma_start3A_821 = arith.constant 0 : i32
      %dma_start3A_822 = arith.constant 0 : i32
      %dma_start3A_823 = tpu.memref_slice %arg6[%dma_start3A_820, %dma_start3A_821, %dma_start3A_822] : memref<2x640x64xf32, #tpu.memory_space<vmem>> -> memref<1x640x64xf32, #tpu.memory_space<vmem>>
      %dma_start3A_824 = tpu.memref_squeeze %dma_start3A_823 : memref<1x640x64xf32, #tpu.memory_space<vmem>> -> memref<640x64xf32, #tpu.memory_space<vmem>>
      %dma_start3A_825 = arith.constant 512 : i32
      %dma_start3A_826 = arith.constant 0 : i32
      %dma_start3A_827 = tpu.memref_slice %dma_start3A_824[%dma_start3A_825, %dma_start3A_826] : memref<640x64xf32, #tpu.memory_space<vmem>> -> memref<128x64xf32, #tpu.memory_space<vmem>>
      %dma_start3A_828 = arith.constant 0 : i32
      %dma_start3A_829 = arith.constant 0 : i32
      %dma_start3A_830 = tpu.memref_slice %arg5[%dma_start3A_818, %dma_start3A_828, %dma_start3A_829] : memref<2x5x128xi32, #tpu.memory_space<vmem>> -> memref<1x5x128xi32, #tpu.memory_space<vmem>>
      %dma_start3A_831 = tpu.memref_squeeze %dma_start3A_830 : memref<1x5x128xi32, #tpu.memory_space<vmem>> -> memref<5x128xi32, #tpu.memory_space<vmem>>
      %dma_start3A_832 = arith.constant 0 : i32
      %dma_start3A_833 = tpu.memref_slice %dma_start3A_831[%dma_start3A_819, %dma_start3A_832] : memref<5x128xi32, #tpu.memory_space<vmem>> -> memref<1x128xi32, #tpu.memory_space<vmem>>
      %dma_start3A_834 = tpu.memref_squeeze %dma_start3A_833 : memref<1x128xi32, #tpu.memory_space<vmem>> -> memref<128xi32, #tpu.memory_space<vmem>>
      %dma_start3A_835 = arith.constant 0 : i32
      %dma_start3A_836 = arith.constant 0 : i32
      %dma_start3A_837 = tpu.memref_slice %arg3[%dma_start3A_835, %dma_start3A_836] : memref<1000000x64xf32, #tpu.memory_space<hbm>> -> memref<1000000x64xf32, #tpu.memory_space<hbm>>
      tpu.enqueue_indirect_dma source(%dma_start3A_837 : memref<1000000x64xf32, #tpu.memory_space<hbm>>) target(%dma_start3A_827 : memref<128x64xf32, #tpu.memory_space<vmem>>) offsets(%dma_start3A_834 : memref<128xi32, #tpu.memory_space<vmem>>) semaphore(%arg7 : memref<!tpu.dma_semaphore, #tpu.memory_space<semaphore_mem>>)
      %dma_wait3A_838 = arith.constant 1 : i32
      %dma_wait3A_839 = arith.constant 0 : i32
      %dma_wait3A_840 = arith.constant 1 : i32
      %dma_wait3A_841 = arith.constant 0 : i32
      %dma_wait3A_842 = arith.constant 0 : i32
      %dma_wait3A_843 = tpu.memref_slice %arg6[%dma_wait3A_840, %dma_wait3A_841, %dma_wait3A_842] : memref<2x640x64xf32, #tpu.memory_space<vmem>> -> memref<1x640x64xf32, #tpu.memory_space<vmem>>
      %dma_wait3A_844 = tpu.memref_squeeze %dma_wait3A_843 : memref<1x640x64xf32, #tpu.memory_space<vmem>> -> memref<640x64xf32, #tpu.memory_space<vmem>>
      %dma_wait3A_845 = arith.constant 0 : i32
      %dma_wait3A_846 = arith.constant 0 : i32
      %dma_wait3A_847 = tpu.memref_slice %dma_wait3A_844[%dma_wait3A_845, %dma_wait3A_846] : memref<640x64xf32, #tpu.memory_space<vmem>> -> memref<128x64xf32, #tpu.memory_space<vmem>>
      %dma_wait3A_848 = arith.constant 0 : i32
      %dma_wait3A_849 = arith.constant 0 : i32
      %dma_wait3A_850 = tpu.memref_slice %arg5[%dma_wait3A_838, %dma_wait3A_848, %dma_wait3A_849] : memref<2x5x128xi32, #tpu.memory_space<vmem>> -> memref<1x5x128xi32, #tpu.memory_space<vmem>>
      %dma_wait3A_851 = tpu.memref_squeeze %dma_wait3A_850 : memref<1x5x128xi32, #tpu.memory_space<vmem>> -> memref<5x128xi32, #tpu.memory_space<vmem>>
      %dma_wait3A_852 = arith.constant 0 : i32
      %dma_wait3A_853 = tpu.memref_slice %dma_wait3A_851[%dma_wait3A_839, %dma_wait3A_852] : memref<5x128xi32, #tpu.memory_space<vmem>> -> memref<1x128xi32, #tpu.memory_space<vmem>>
      %dma_wait3A_854 = tpu.memref_squeeze %dma_wait3A_853 : memref<1x128xi32, #tpu.memory_space<vmem>> -> memref<128xi32, #tpu.memory_space<vmem>>
      %dma_wait3A_855 = arith.constant 0 : i32
      %dma_wait3A_856 = arith.constant 0 : i32
      %dma_wait3A_857 = tpu.memref_slice %arg3[%dma_wait3A_855, %dma_wait3A_856] : memref<1000000x64xf32, #tpu.memory_space<hbm>> -> memref<1000000x64xf32, #tpu.memory_space<hbm>>
      tpu.wait_indirect_dma semaphore(%arg7 : memref<!tpu.dma_semaphore, #tpu.memory_space<semaphore_mem>>) src(%dma_wait3A_857 : memref<1000000x64xf32, #tpu.memory_space<hbm>>) dst(%dma_wait3A_847 : memref<128x64xf32, #tpu.memory_space<vmem>>)
      %dma_wait3A_858 = arith.constant 1 : i32
      %dma_wait3A_859 = arith.constant 1 : i32
      %dma_wait3A_860 = arith.constant 1 : i32
      %dma_wait3A_861 = arith.constant 0 : i32
      %dma_wait3A_862 = arith.constant 0 : i32
      %dma_wait3A_863 = tpu.memref_slice %arg6[%dma_wait3A_860, %dma_wait3A_861, %dma_wait3A_862] : memref<2x640x64xf32, #tpu.memory_space<vmem>> -> memref<1x640x64xf32, #tpu.memory_space<vmem>>
      %dma_wait3A_864 = tpu.memref_squeeze %dma_wait3A_863 : memref<1x640x64xf32, #tpu.memory_space<vmem>> -> memref<640x64xf32, #tpu.memory_space<vmem>>
      %dma_wait3A_865 = arith.constant 128 : i32
      %dma_wait3A_866 = arith.constant 0 : i32
      %dma_wait3A_867 = tpu.memref_slice %dma_wait3A_864[%dma_wait3A_865, %dma_wait3A_866] : memref<640x64xf32, #tpu.memory_space<vmem>> -> memref<128x64xf32, #tpu.memory_space<vmem>>
      %dma_wait3A_868 = arith.constant 0 : i32
      %dma_wait3A_869 = arith.constant 0 : i32
      %dma_wait3A_870 = tpu.memref_slice %arg5[%dma_wait3A_858, %dma_wait3A_868, %dma_wait3A_869] : memref<2x5x128xi32, #tpu.memory_space<vmem>> -> memref<1x5x128xi32, #tpu.memory_space<vmem>>
      %dma_wait3A_871 = tpu.memref_squeeze %dma_wait3A_870 : memref<1x5x128xi32, #tpu.memory_space<vmem>> -> memref<5x128xi32, #tpu.memory_space<vmem>>
      %dma_wait3A_872 = arith.constant 0 : i32
      %dma_wait3A_873 = tpu.memref_slice %dma_wait3A_871[%dma_wait3A_859, %dma_wait3A_872] : memref<5x128xi32, #tpu.memory_space<vmem>> -> memref<1x128xi32, #tpu.memory_space<vmem>>
      %dma_wait3A_874 = tpu.memref_squeeze %dma_wait3A_873 : memref<1x128xi32, #tpu.memory_space<vmem>> -> memref<128xi32, #tpu.memory_space<vmem>>
      %dma_wait3A_875 = arith.constant 0 : i32
      %dma_wait3A_876 = arith.constant 0 : i32
      %dma_wait3A_877 = tpu.memref_slice %arg3[%dma_wait3A_875, %dma_wait3A_876] : memref<1000000x64xf32, #tpu.memory_space<hbm>> -> memref<1000000x64xf32, #tpu.memory_space<hbm>>
      tpu.wait_indirect_dma semaphore(%arg7 : memref<!tpu.dma_semaphore, #tpu.memory_space<semaphore_mem>>) src(%dma_wait3A_877 : memref<1000000x64xf32, #tpu.memory_space<hbm>>) dst(%dma_wait3A_867 : memref<128x64xf32, #tpu.memory_space<vmem>>)
      %dma_wait3A_878 = arith.constant 1 : i32
      %dma_wait3A_879 = arith.constant 2 : i32
      %dma_wait3A_880 = arith.constant 1 : i32
      %dma_wait3A_881 = arith.constant 0 : i32
      %dma_wait3A_882 = arith.constant 0 : i32
      %dma_wait3A_883 = tpu.memref_slice %arg6[%dma_wait3A_880, %dma_wait3A_881, %dma_wait3A_882] : memref<2x640x64xf32, #tpu.memory_space<vmem>> -> memref<1x640x64xf32, #tpu.memory_space<vmem>>
      %dma_wait3A_884 = tpu.memref_squeeze %dma_wait3A_883 : memref<1x640x64xf32, #tpu.memory_space<vmem>> -> memref<640x64xf32, #tpu.memory_space<vmem>>
      %dma_wait3A_885 = arith.constant 256 : i32
      %dma_wait3A_886 = arith.constant 0 : i32
      %dma_wait3A_887 = tpu.memref_slice %dma_wait3A_884[%dma_wait3A_885, %dma_wait3A_886] : memref<640x64xf32, #tpu.memory_space<vmem>> -> memref<128x64xf32, #tpu.memory_space<vmem>>
      %dma_wait3A_888 = arith.constant 0 : i32
      %dma_wait3A_889 = arith.constant 0 : i32
      %dma_wait3A_890 = tpu.memref_slice %arg5[%dma_wait3A_878, %dma_wait3A_888, %dma_wait3A_889] : memref<2x5x128xi32, #tpu.memory_space<vmem>> -> memref<1x5x128xi32, #tpu.memory_space<vmem>>
      %dma_wait3A_891 = tpu.memref_squeeze %dma_wait3A_890 : memref<1x5x128xi32, #tpu.memory_space<vmem>> -> memref<5x128xi32, #tpu.memory_space<vmem>>
      %dma_wait3A_892 = arith.constant 0 : i32
      %dma_wait3A_893 = tpu.memref_slice %dma_wait3A_891[%dma_wait3A_879, %dma_wait3A_892] : memref<5x128xi32, #tpu.memory_space<vmem>> -> memref<1x128xi32, #tpu.memory_space<vmem>>
      %dma_wait3A_894 = tpu.memref_squeeze %dma_wait3A_893 : memref<1x128xi32, #tpu.memory_space<vmem>> -> memref<128xi32, #tpu.memory_space<vmem>>
      %dma_wait3A_895 = arith.constant 0 : i32
      %dma_wait3A_896 = arith.constant 0 : i32
      %dma_wait3A_897 = tpu.memref_slice %arg3[%dma_wait3A_895, %dma_wait3A_896] : memref<1000000x64xf32, #tpu.memory_space<hbm>> -> memref<1000000x64xf32, #tpu.memory_space<hbm>>
      tpu.wait_indirect_dma semaphore(%arg7 : memref<!tpu.dma_semaphore, #tpu.memory_space<semaphore_mem>>) src(%dma_wait3A_897 : memref<1000000x64xf32, #tpu.memory_space<hbm>>) dst(%dma_wait3A_887 : memref<128x64xf32, #tpu.memory_space<vmem>>)
      %dma_wait3A_898 = arith.constant 1 : i32
      %dma_wait3A_899 = arith.constant 3 : i32
      %dma_wait3A_900 = arith.constant 1 : i32
      %dma_wait3A_901 = arith.constant 0 : i32
      %dma_wait3A_902 = arith.constant 0 : i32
      %dma_wait3A_903 = tpu.memref_slice %arg6[%dma_wait3A_900, %dma_wait3A_901, %dma_wait3A_902] : memref<2x640x64xf32, #tpu.memory_space<vmem>> -> memref<1x640x64xf32, #tpu.memory_space<vmem>>
      %dma_wait3A_904 = tpu.memref_squeeze %dma_wait3A_903 : memref<1x640x64xf32, #tpu.memory_space<vmem>> -> memref<640x64xf32, #tpu.memory_space<vmem>>
      %dma_wait3A_905 = arith.constant 384 : i32
      %dma_wait3A_906 = arith.constant 0 : i32
      %dma_wait3A_907 = tpu.memref_slice %dma_wait3A_904[%dma_wait3A_905, %dma_wait3A_906] : memref<640x64xf32, #tpu.memory_space<vmem>> -> memref<128x64xf32, #tpu.memory_space<vmem>>
      %dma_wait3A_908 = arith.constant 0 : i32
      %dma_wait3A_909 = arith.constant 0 : i32
      %dma_wait3A_910 = tpu.memref_slice %arg5[%dma_wait3A_898, %dma_wait3A_908, %dma_wait3A_909] : memref<2x5x128xi32, #tpu.memory_space<vmem>> -> memref<1x5x128xi32, #tpu.memory_space<vmem>>
      %dma_wait3A_911 = tpu.memref_squeeze %dma_wait3A_910 : memref<1x5x128xi32, #tpu.memory_space<vmem>> -> memref<5x128xi32, #tpu.memory_space<vmem>>
      %dma_wait3A_912 = arith.constant 0 : i32
      %dma_wait3A_913 = tpu.memref_slice %dma_wait3A_911[%dma_wait3A_899, %dma_wait3A_912] : memref<5x128xi32, #tpu.memory_space<vmem>> -> memref<1x128xi32, #tpu.memory_space<vmem>>
      %dma_wait3A_914 = tpu.memref_squeeze %dma_wait3A_913 : memref<1x128xi32, #tpu.memory_space<vmem>> -> memref<128xi32, #tpu.memory_space<vmem>>
      %dma_wait3A_915 = arith.constant 0 : i32
      %dma_wait3A_916 = arith.constant 0 : i32
      %dma_wait3A_917 = tpu.memref_slice %arg3[%dma_wait3A_915, %dma_wait3A_916] : memref<1000000x64xf32, #tpu.memory_space<hbm>> -> memref<1000000x64xf32, #tpu.memory_space<hbm>>
      tpu.wait_indirect_dma semaphore(%arg7 : memref<!tpu.dma_semaphore, #tpu.memory_space<semaphore_mem>>) src(%dma_wait3A_917 : memref<1000000x64xf32, #tpu.memory_space<hbm>>) dst(%dma_wait3A_907 : memref<128x64xf32, #tpu.memory_space<vmem>>)
      %dma_wait3A_918 = arith.constant 1 : i32
      %dma_wait3A_919 = arith.constant 4 : i32
      %dma_wait3A_920 = arith.constant 1 : i32
      %dma_wait3A_921 = arith.constant 0 : i32
      %dma_wait3A_922 = arith.constant 0 : i32
      %dma_wait3A_923 = tpu.memref_slice %arg6[%dma_wait3A_920, %dma_wait3A_921, %dma_wait3A_922] : memref<2x640x64xf32, #tpu.memory_space<vmem>> -> memref<1x640x64xf32, #tpu.memory_space<vmem>>
      %dma_wait3A_924 = tpu.memref_squeeze %dma_wait3A_923 : memref<1x640x64xf32, #tpu.memory_space<vmem>> -> memref<640x64xf32, #tpu.memory_space<vmem>>
      %dma_wait3A_925 = arith.constant 512 : i32
      %dma_wait3A_926 = arith.constant 0 : i32
      %dma_wait3A_927 = tpu.memref_slice %dma_wait3A_924[%dma_wait3A_925, %dma_wait3A_926] : memref<640x64xf32, #tpu.memory_space<vmem>> -> memref<128x64xf32, #tpu.memory_space<vmem>>
      %dma_wait3A_928 = arith.constant 0 : i32
      %dma_wait3A_929 = arith.constant 0 : i32
      %dma_wait3A_930 = tpu.memref_slice %arg5[%dma_wait3A_918, %dma_wait3A_928, %dma_wait3A_929] : memref<2x5x128xi32, #tpu.memory_space<vmem>> -> memref<1x5x128xi32, #tpu.memory_space<vmem>>
      %dma_wait3A_931 = tpu.memref_squeeze %dma_wait3A_930 : memref<1x5x128xi32, #tpu.memory_space<vmem>> -> memref<5x128xi32, #tpu.memory_space<vmem>>
      %dma_wait3A_932 = arith.constant 0 : i32
      %dma_wait3A_933 = tpu.memref_slice %dma_wait3A_931[%dma_wait3A_919, %dma_wait3A_932] : memref<5x128xi32, #tpu.memory_space<vmem>> -> memref<1x128xi32, #tpu.memory_space<vmem>>
      %dma_wait3A_934 = tpu.memref_squeeze %dma_wait3A_933 : memref<1x128xi32, #tpu.memory_space<vmem>> -> memref<128xi32, #tpu.memory_space<vmem>>
      %dma_wait3A_935 = arith.constant 0 : i32
      %dma_wait3A_936 = arith.constant 0 : i32
      %dma_wait3A_937 = tpu.memref_slice %arg3[%dma_wait3A_935, %dma_wait3A_936] : memref<1000000x64xf32, #tpu.memory_space<hbm>> -> memref<1000000x64xf32, #tpu.memory_space<hbm>>
      tpu.wait_indirect_dma semaphore(%arg7 : memref<!tpu.dma_semaphore, #tpu.memory_space<semaphore_mem>>) src(%dma_wait3A_937 : memref<1000000x64xf32, #tpu.memory_space<hbm>>) dst(%dma_wait3A_927 : memref<128x64xf32, #tpu.memory_space<vmem>>)
      %mul3A_938 = arith.constant 640 : i32
      %mul3A_939 = arith.muli %add3A_718, %mul3A_938 : i32
      %add3A_940 = arith.addi %mul3A_4, %mul3A_939 : i32
      %dma_start3A_941 = arith.constant 1 : i32
      %dma_start3A_942 = arith.constant 0 : i32
      %dma_start3A_943 = arith.constant 0 : i32
      %dma_start3A_944 = tpu.memref_slice %arg6[%dma_start3A_941, %dma_start3A_942, %dma_start3A_943] : memref<2x640x64xf32, #tpu.memory_space<vmem>> -> memref<1x640x64xf32, #tpu.memory_space<vmem>>
      %dma_start3A_945 = tpu.memref_squeeze %dma_start3A_944 : memref<1x640x64xf32, #tpu.memory_space<vmem>> -> memref<640x64xf32, #tpu.memory_space<vmem>>
      %dma_start3A_946 = arith.constant 0 : i32
      %dma_start3A_947 = tpu.memref_slice %arg4[%add3A_940, %dma_start3A_946] : memref<819200x128xf32, #tpu.memory_space<hbm>> -> memref<640x64xf32, #tpu.memory_space<hbm>>
      %dma_start3A_948 = arith.constant 0 : i32
      %dma_start3A_949 = tpu.memref_slice %arg4[%add3A_940, %dma_start3A_948] : memref<819200x128xf32, #tpu.memory_space<hbm>> -> memref<640x64xf32, #tpu.memory_space<hbm>>
      %dma_start3A_950 = arith.constant 0 : i32
      %dma_start3A_951 = arith.constant 0 : i32
      %dma_start3A_952 = tpu.memref_slice %arg6[%dma_start3A_941, %dma_start3A_950, %dma_start3A_951] : memref<2x640x64xf32, #tpu.memory_space<vmem>> -> memref<1x640x64xf32, #tpu.memory_space<vmem>>
      %dma_start3A_953 = tpu.memref_squeeze %dma_start3A_952 : memref<1x640x64xf32, #tpu.memory_space<vmem>> -> memref<640x64xf32, #tpu.memory_space<vmem>>
      tpu.enqueue_dma source(%dma_start3A_953 : memref<640x64xf32, #tpu.memory_space<vmem>>) target(%dma_start3A_949 : memref<640x64xf32, #tpu.memory_space<hbm>>) target_semaphore(%arg9 : memref<!tpu.dma_semaphore, #tpu.memory_space<semaphore_mem>>)
      %scan3A_954 = arith.constant 0 : i32
      scf.yield %scan3A_954 : i32
    }
    %scan3A_443 = arith.constant 19 : i32
    %dma_wait3A_444 = arith.constant 0 : i32
    %dma_wait3A_445 = arith.constant 0 : i32
    %dma_wait3A_446 = arith.constant 0 : i32
    %dma_wait3A_447 = tpu.memref_slice %arg6[%dma_wait3A_444, %dma_wait3A_445, %dma_wait3A_446] : memref<2x640x64xf32, #tpu.memory_space<vmem>> -> memref<1x640x64xf32, #tpu.memory_space<vmem>>
    %dma_wait3A_448 = tpu.memref_squeeze %dma_wait3A_447 : memref<1x640x64xf32, #tpu.memory_space<vmem>> -> memref<640x64xf32, #tpu.memory_space<vmem>>
    %dma_wait3A_449 = arith.constant 0 : i32
    %dma_wait3A_450 = arith.constant 0 : i32
    %dma_wait3A_451 = tpu.memref_slice %arg4[%dma_wait3A_449, %dma_wait3A_450] : memref<819200x128xf32, #tpu.memory_space<hbm>> -> memref<640x64xf32, #tpu.memory_space<hbm>>
    %dma_wait3A_452 = arith.constant 0 : i32
    %dma_wait3A_453 = arith.constant 0 : i32
    %dma_wait3A_454 = tpu.memref_slice %arg4[%dma_wait3A_452, %dma_wait3A_453] : memref<819200x128xf32, #tpu.memory_space<hbm>> -> memref<640x64xf32, #tpu.memory_space<hbm>>
    %dma_wait3A_455 = arith.constant 0 : i32
    %dma_wait3A_456 = arith.constant 0 : i32
    %dma_wait3A_457 = tpu.memref_slice %arg6[%dma_wait3A_444, %dma_wait3A_455, %dma_wait3A_456] : memref<2x640x64xf32, #tpu.memory_space<vmem>> -> memref<1x640x64xf32, #tpu.memory_space<vmem>>
    %dma_wait3A_458 = tpu.memref_squeeze %dma_wait3A_457 : memref<1x640x64xf32, #tpu.memory_space<vmem>> -> memref<640x64xf32, #tpu.memory_space<vmem>>
    tpu.wait_dma2 semaphore(%arg8 : memref<!tpu.dma_semaphore, #tpu.memory_space<semaphore_mem>>) src(%dma_wait3A_458 : memref<640x64xf32, #tpu.memory_space<vmem>>) dst(%dma_wait3A_454 : memref<640x64xf32, #tpu.memory_space<hbm>>)
    %dma_wait3A_459 = arith.constant 1 : i32
    %dma_wait3A_460 = arith.constant 0 : i32
    %dma_wait3A_461 = arith.constant 0 : i32
    %dma_wait3A_462 = tpu.memref_slice %arg6[%dma_wait3A_459, %dma_wait3A_460, %dma_wait3A_461] : memref<2x640x64xf32, #tpu.memory_space<vmem>> -> memref<1x640x64xf32, #tpu.memory_space<vmem>>
    %dma_wait3A_463 = tpu.memref_squeeze %dma_wait3A_462 : memref<1x640x64xf32, #tpu.memory_space<vmem>> -> memref<640x64xf32, #tpu.memory_space<vmem>>
    %dma_wait3A_464 = arith.constant 0 : i32
    %dma_wait3A_465 = arith.constant 0 : i32
    %dma_wait3A_466 = tpu.memref_slice %arg4[%dma_wait3A_464, %dma_wait3A_465] : memref<819200x128xf32, #tpu.memory_space<hbm>> -> memref<640x64xf32, #tpu.memory_space<hbm>>
    %dma_wait3A_467 = arith.constant 0 : i32
    %dma_wait3A_468 = arith.constant 0 : i32
    %dma_wait3A_469 = tpu.memref_slice %arg4[%dma_wait3A_467, %dma_wait3A_468] : memref<819200x128xf32, #tpu.memory_space<hbm>> -> memref<640x64xf32, #tpu.memory_space<hbm>>
    %dma_wait3A_470 = arith.constant 0 : i32
    %dma_wait3A_471 = arith.constant 0 : i32
    %dma_wait3A_472 = tpu.memref_slice %arg6[%dma_wait3A_459, %dma_wait3A_470, %dma_wait3A_471] : memref<2x640x64xf32, #tpu.memory_space<vmem>> -> memref<1x640x64xf32, #tpu.memory_space<vmem>>
    %dma_wait3A_473 = tpu.memref_squeeze %dma_wait3A_472 : memref<1x640x64xf32, #tpu.memory_space<vmem>> -> memref<640x64xf32, #tpu.memory_space<vmem>>
    tpu.wait_dma2 semaphore(%arg9 : memref<!tpu.dma_semaphore, #tpu.memory_space<semaphore_mem>>) src(%dma_wait3A_473 : memref<640x64xf32, #tpu.memory_space<vmem>>) dst(%dma_wait3A_469 : memref<640x64xf32, #tpu.memory_space<hbm>>)
    return
  }
}

</mosaic_0001>

<sc_bundles>
// kernel: kernel.3.cloned.1.call-start
scs
__scs_entry_jumppad:
0x0: {  	(pc) =	sbr.rel $0x88, $3  }
0x1: {  	(tag) =	ssettag $0x0;
	lr =	simm.s32 $0x1  }
0x2: {  	[smem:$0x3F9F] =	sst lr;
	_ =	strace $0xD0000000  }
0x3: {  	_ = 	snop  }
0x4: {  	_ = 	snop  }
0x5: {  	_ = 	snop  }
0x6: {  	_ = 	snop  }
0x7: {  	_ = 	snop  }
__scs_overlays_trampoline_lowered:
0x8: {  	[smem:$0x3FAE] =	sst s0  }
0x9: {  	[smem:$0x3FAF] =	sst s1  }
0xa: {  	[smem:$0x3FB0] =	sst s2  }
0xb: {  	[smem:$0x3FB1] =	sst s3  }
0xc: {  	[smem:$0x3FB2] =	sst s4  }
0xd: {  	[smem:$0x3FB3] =	sst s5  }
0xe: {  	[smem:$0x3FB4] =	sst s6  }
0xf: {  	[smem:$0x3FB5] =	sst s7  }
0x10: {  	[smem:$0x3FB6] =	sst s8  }
0x11: {  	[smem:$0x3FB7] =	sst s9;
	s0 =	simm.s32 @!p0 $0x0  }
0x12: {  	s1 =	sld [smem:$0x3F9D];
	s0 =	simm.s32 @p0 $0x1  }
0x13: {  	[smem:$0x3FB8] =	sst s0;
	s0 =	simm.s32 @!p1 $0x0  }
0x14: {  	s2 =	sld [smem:$0x3F9C];
	s0 =	simm.s32 @p1 $0x1  }
0x15: {  	[smem:$0x3FB9] =	sst s0;
	s0 =	simm.s32 @!p2 $0x0  }
0x16: {  	s3 =	sld [smem:$0x3FDB];
	s0 =	simm.s32 @p2 $0x1  }
0x17: {  	s4 =	simm.s32 $0x1BF5;
	[smem:$0x3FBB] =	sst s0  }
0x18: {  	s0 =	sld [smem:$0x3F9E];
	_ =	swait.ge [sflag:s4], $0x0  }
0x19: {  	s7 =	sld [smem:$0x3F9F]  }
0x1a: {  	s8 =	sadd.s32 $0xFFFFE003, lr  }
0x1b: {  	s9 =	sadd.s32 $0xFFFFFEF7, lr;
	s5 =	simm.s32 $0xFFFFFFFF;
	p2 =	slt.u32 s8, $0xFFFFF086  }
0x1c: {  	p1 =	slt.u32 s9, $0xF7A;
	s5 =	simm.s32 @!p2 $0x0  }
0x1d: {  	s5 =	simm.s32 @p1 $0x1;
	p0 =	seq.s32 s7, s2  }
0x1e: {  	s7 =	smul.u32 @!p0 $0xF7A, s2;
	p2 =	seq.s32 @!p0 s5, $0x0  }
0x1f: {  	s9 =	smul.u32 $0xF7A, s1;
	s8 =	simm.s32 @!p0 $0x1BF5;
	p2 =	por !p2, p0  }
0x20: {  	[sflag:s8] =	ssyncset.s32 @!p0 $0xFFFFF086;
	s6 =	sadd.s32 @!p0 s3, s7;
	s7 =	simm.s32 @!p0 $0x108  }
0x21: {  	s3 =	sadd.s32 s3, s9;
	s6 =	sadd.s32 @!p0 $0x88, s6;
	s7 =	simm.s32 @p2 $0x1082  }
0x22: {  	[simem:s7], [sflag:s8] =	dma.local @!p0 [hbm:s6], $0xF7A  }
0x23: {  	s9 =	sor.u32 $0xD0000000, s2;
	s6 =	simm.s32 $0x108;
	_ =	swait.ge @!p0 [sflag:s8], $0x0  }
0x24: {  	s3 =	sadd.s32 $0x88, s3;
	s6 =	simm.s32 @!p1 $0x1082;
	[sflag:s4] =	ssyncset.s32 $0xFFFFF086  }
0x25: {  	[simem:s6], [sflag:s4] =	dma.local [hbm:s3], $0xF7A  }
0x26: {  	[smem:$0x3F9F] =	sst s1;
	(tag) =	ssettag s2;
	_ =	strace s9  }
0x27: {  	s1 =	sld [smem:$0x3FAF]  }
0x28: {  	s2 =	sld [smem:$0x3FB0]  }
0x29: {  	s4 =	sld [smem:$0x3FB2]  }
0x2a: {  	p0 =	seq.s32 s5, $0x0;
	s5 =	sld [smem:$0x3FB3]  }
0x2b: {  	s6 =	sld [smem:$0x3FB4]  }
0x2c: {  	s7 =	sld [smem:$0x3FB5]  }
0x2d: {  	s3 =	simm.s32 $0x108;
	s8 =	sld [smem:$0x3FB6]  }
0x2e: {  	s3 =	simm.s32 @!p0 $0x1082;
	s9 =	sld [smem:$0x3FB7]  }
0x2f: {  	lr =	sadd.s32 s0, s3;
	s0 =	sld [smem:$0x3FAE]  }
0x30: {  	s3 =	sld [smem:$0x3FB1]  }
0x31: {  	[smem:$0x3FBA] =	sst s10  }
0x32: {  	s10 =	sld [smem:$0x3FB8];
	_ =	sdelay $0x3  }
0x33: {  	p0 =	seq.s32 s10, $0x1;
	s10 =	sld [smem:$0x3FBA];
	_ =	sdelay $0x3  }
0x34: {  	[smem:$0x3FBA] =	sst s10  }
0x35: {  	s10 =	sld [smem:$0x3FB9];
	_ =	sdelay $0x3  }
0x36: {  	p1 =	seq.s32 s10, $0x1;
	s10 =	sld [smem:$0x3FBA];
	_ =	sdelay $0x3  }
0x37: {  	[smem:$0x3FBA] =	sst s10  }
0x38: {  	s10 =	sld [smem:$0x3FBB]  }
0x39: {  	_ = 	snop;
	(pc) =	sbr.ind lr, $3  }
0x3a: {  	_ = 	snop  }
0x3b: {  	_ = 	snop  }
0x3c: {  	p2 =	seq.s32 s10, $0x1;
	s10 =	sld [smem:$0x3FBA]  }
0x3d: {  	_ =	shalt  }
0x3e: {  	_ =	shalt  }
0x3f: {  	_ =	shalt  }
0x40: {  	_ =	shalt  }
0x41: {  	_ =	shalt  }
0x42: {  	_ =	shalt  }
0x43: {  	_ =	shalt  }
0x44: {  	_ =	shalt  }
0x45: {  	_ =	shalt  }
0x46: {  	_ =	shalt  }
0x47: {  	_ =	shalt  }
0x48: {  	_ =	shalt  }
0x49: {  	_ =	shalt  }
0x4a: {  	_ =	shalt  }
0x4b: {  	_ =	shalt  }
0x4c: {  	_ =	shalt  }
0x4d: {  	_ =	shalt  }
0x4e: {  	_ =	shalt  }
0x4f: {  	_ =	shalt  }
0x50: {  	_ =	shalt  }
0x51: {  	_ =	shalt  }
0x52: {  	_ =	shalt  }
0x53: {  	_ =	shalt  }
0x54: {  	_ =	shalt  }
0x55: {  	_ =	shalt  }
0x56: {  	_ =	shalt  }
0x57: {  	_ =	shalt  }
0x58: {  	_ =	shalt  }
0x59: {  	_ =	shalt  }
0x5a: {  	_ =	shalt  }
0x5b: {  	_ =	shalt  }
0x5c: {  	_ =	shalt  }
0x5d: {  	_ =	shalt  }
0x5e: {  	_ =	shalt  }
0x5f: {  	_ =	shalt  }
0x60: {  	_ =	shalt  }
0x61: {  	_ =	shalt  }
0x62: {  	_ =	shalt  }
0x63: {  	_ =	shalt  }
0x64: {  	_ =	shalt  }
0x65: {  	_ =	shalt  }
0x66: {  	_ =	shalt  }
0x67: {  	_ =	shalt  }
0x68: {  	_ =	shalt  }
0x69: {  	_ =	shalt  }
0x6a: {  	_ =	shalt  }
0x6b: {  	_ =	shalt  }
0x6c: {  	_ =	shalt  }
0x6d: {  	_ =	shalt  }
0x6e: {  	_ =	shalt  }
0x6f: {  	_ =	shalt  }
0x70: {  	_ =	shalt  }
0x71: {  	_ =	shalt  }
0x72: {  	_ =	shalt  }
0x73: {  	_ =	shalt  }
0x74: {  	_ =	shalt  }
0x75: {  	_ =	shalt  }
0x76: {  	_ =	shalt  }
0x77: {  	_ =	shalt  }
0x78: {  	_ =	shalt  }
0x79: {  	_ =	shalt  }
0x7a: {  	_ =	shalt  }
0x7b: {  	_ =	shalt  }
0x7c: {  	_ =	shalt  }
0x7d: {  	_ =	shalt  }
0x7e: {  	_ =	shalt  }
0x7f: {  	_ =	shalt  }
0x80: {  	_ =	shalt  }
0x81: {  	_ =	shalt  }
0x82: {  	_ =	shalt  }
0x83: {  	_ =	shalt  }
0x84: {  	_ =	shalt  }
0x85: {  	_ =	shalt  }
0x86: {  	_ =	shalt  }
0x87: {  	_ =	shalt  }
.Lfunc_end0:
.L_simem_size_0:
called_computation.1_lowered:
.L_overlay_start_0:
0x88: {  	s2 =	sld [smem:$0x3FD9]  }
0x89: {  	s3 =	sld [smem:$0x3FFE];
	_ =	sdelay $0x1  }
0x8a: {  	s1 =	srdreg.scid  }
0x8b: {  	s0 =	sand.u32 $0x1, s1  }
0x8c: {  	s17 =	sshll.u32 s0, $0xA;
	s2 =	sadd.s32 s3, s2  }
0x8d: {  	s2 =	sadd.s32 s2, s17  }
0x8e: {  	[smem:$0x3FC6] =	sst s2  }
0x8f: {  	_ = 	snop  }
0x90: {  	s2 =	sld [smem:$0x3FD0];
	(tm) =	ssettm $0x1  }
0x91: {  	s18 =	sld [smem:$0x3FFB];
	_ =	sdelay $0x3  }
0x92: {  	_ =	strace s18  }
0x93: {  	s3 =	sld [smem:$0x3FFC];
	_ =	sdelay $0x3  }
0x94: {  	_ =	strace s3  }
0x95: {  	s3 =	sld [smem:$0x3FFD];
	_ =	sdelay $0x3  }
0x96: {  	_ =	strace s3  }
0x97: {  	_ =	strace $0x8FFFFFFF  }
0x98: {  	s19 =	sld [smem:$0x3FDB];
	_ =	sdelay $0x1  }
0x99: {  	s4 =	simm.s32 $_scs_section_size  }
0x9a: {  	s5 =	simm.s32 $_size__tile_overlayer_lowered;
	s6 =	simm.s32 $_tile_overlayer_lowered  }
0x9b: {  	s22 =	simm.s32 $0x1BFF;
	s21 =	sshll.u32 s6, $0x1;
	s3 =	sadd.s32 s4, s19  }
0x9c: {  	s7 =	simm.s32 $0x0;
	s20 =	sshll.u32 s5, $0x1;
	s5 =	sadd.s32 s21, s3  }
0x9d: {  	[timem:s7], [sflag:s22] =	dma.local [hbm:s5], s20  }
0x9e: {  	_ =	swait.ge [sflag:s22], s20  }
0x9f: {  	s4 =	ssub.s32 $0x0, s20;
	[sflag:s22] =	ssyncset.done $0x0  }
0xa0: {  	[sflag:s22] =	ssyncadd.s32 s4;
	_ =	sdelay $0x1  }
0xa1: {  	s23 =	simm.s32 $0x1B8B  }
0xa2: {  	_ =	swait.ge [sflag:s23], $0x1  }
0xa3: {  	[sflag:s23] =	ssyncset.done $0x0  }
0xa4: {  	s25 =	simm.s32 $0x1B8E;
	s24 =	sld [smem:$0x3FFE];
	[sflag:s23] =	ssyncadd.s32 $0xFFFFFFFF  }
0xa5: {  	s26 =	simm.s32 $execute0_lowered;
	[smem:$0x3FD2] =	sst s25  }
0xa6: {  	s5 =	sshll.u32 s26, $0x1;
	_ =	strace $0x80000046;
	[dreg:$0x1] =	wrdreg $0xFFFFFFFF  }
0xa7: {  	s28 =	simm.s32 $_size_execute0_lowered;
	s3 =	sadd.s32 s3, s5;
	[dreg:$0x0] =	wrdreg $0x0  }
0xa8: {  	s5 =	sshll.u32 s28, $0x1;
	[dreg:$0x2] =	wrdreg s3  }
0xa9: {  	[dreg:$0x3] =	wrdreg s5  }
0xaa: {  	[dreg:$0x4] =	wrdreg $0xC0  }
0xab: {  	_ =	task [dreg:s7], $0x5FFFF  }
0xac: {  	[dreg:$0x1] =	wrdreg $0xFFFFFFFF  }
0xad: {  	[dreg:$0x0] =	wrdreg $0x60  }
0xae: {  	[dreg:$0x2] =	wrdreg s2  }
0xaf: {  	[dreg:$0x3] =	wrdreg s24  }
0xb0: {  	[dreg:$0x4] =	wrdreg $0x9  }
0xb1: {  	_ =	task.clear_ibuf [dreg:s7], $0x5FFFF;
	_ =	strace $0x90000046  }
0xb2: {  	s29 =	simm.s32 $0x9;
	_ =	strace $0x80000048  }
0xb3: {  	_ =	swait.ge [sflag:s29], $0x1  }
0xb4: {  	[sflag:s29] =	ssyncadd.s32 $0xFFFFFFFF  }
0xb5: {  	_ =	strace $0x90000048  }
0xb6: {  	_ =	sfence  }
0xb7: {  	s30 =	sld [smem:$0x0];
	_ =	sdelay $0x2  }
0xb8: {  	s31 =	sshll.u32 s1, $0xD;
	s1 =	sshrl.u32 s1, $0x2  }
0xb9: {  	s3 =	sand.u32 $0x4000, s31;
	s1 =	sadd.s32 s1, s30  }
0xba: {  	s0 =	sor.u32 s3, s0;
	s1 =	sshll.u32 s1, $0x11  }
0xbb: {  	s0 =	sor.u32 s1, s0  }
0xbc: {  	s0 =	sadd.s32 $0x8F2B, s0  }
0xbd: {  	[sflag:s0] =	ssyncadd.remote.s32 $0x1  }
0xbe: {  	_ =	sfence.sel $0xFFFF  }
0xbf: {  	[dreg:$0x0] =	wrdreg $0xFFFFFFFF;
	(pc) =	sbr.abs _section_cstart, $3  }
0xc0: {  	[dreg:$0x1] =	wrdreg $0xFFFFFFFF  }
0xc1: {  	_ =	task.clear_ibuf [dreg:s7], $0x2FFFF;
	_ =	strace $0x9FFFFFFF  }
0xc2: {  	(tm) =	ssettm $0x7FFFFFFF  }
0xc3: {  	_ =	shalt  }
tec
execute0_lowered:
.L_overlay_start_1:
0x0: {  	(tag) =	ssettag $0x1  }
0x1: {  	s0 =	srdreg.scid;
	s4 =	rddreg [dreg:$0x0]  }
0x2: {  	s11 =	stileid.u32;
	s5 =	rddreg [dreg:$0x1]  }
0x3: {  	s2 =	simm.s32 $0x0;
	s12 =	simm.s32 $0x80;
	s13 =	simm.s32 $0x500  }
0x4: {  	s14 =	simm.s32 $0x6500;
	s15 =	simm.s32 $0x200;
	s16 =	simm.s32 $0x8500  }
0x5: {  	s17 =	simm.s32 $0x300;
	s18 =	simm.s32 $0xC500;
	s19 =	simm.s32 $0x380  }
0x6: {  	s20 =	simm.s32 $0xE500;
	s28 =	simm.s32 $0x12500;
	s31 =	simm.s32 $0x400  }
0x7: {  	s30 =	simm.s32 $0xE500;
	s29 =	simm.s32 $0x380;
	s7 =	smul.u32 $0x190, s11  }
0x8: {  	s0 =	sand.u32 $0x1, s0;
	s1 =	sshll.u32 s11, $0x1;
	s11 =	smul.u32 $0xC800, s11  }
0x9: {  	[smem:$0x7FF] =	sst s2;
	s3 =	sadd.s32 $0xF42E00, s5;
	s9 =	smul.u32 $0xC8, s0  }
0xa: {  	s1 =	sor.u32 s0, s1;
	s8 =	ssub.s32 $0x2, s0;
	s0 =	smul.u32 $0x6400, s0  }
0xb: {  	s5 =	sadd.s32 $0xA00, s5;
	s6 =	smul.u32 $0xC80, s1;
	s10 =	sshrl.u32 s8, $0x1  }
0xc: {  	_ =	strace $0x80000047;
	s1 =	smul.u32 $0x64000, s1;
	s8 =	ssub.s32 s8, s10  }
0xd: {  	s22 =	sadd.s32 s9, s7;
	s0 =	sadd.s32 s0, s11;
	s11 =	simm.s32 $0x4  }
0xe: {  	s9 =	simm.s32 $0x4500;
	s10 =	simm.s32 $0x180;
	s7 =	simm.s32 $0x3  }
0xf: {  	s6 =	sadd.s32 s4, s6;
	s21 =	sadd.s32 s5, s1;
	s1 =	sshll.u32 s22, $0x4  }
0x10: {  	s0 =	sshll.u32 s0, $0x4;
	s24 =	smax.u32 s8, $0x1;
	[dreg:$0x5] =	wrdreg s6  }
0x11: {  	s8 =	simm.s32 $0x100;
	s22 =	simm.s32 $0x40;
	[dreg:$0x6] =	wrdreg s21  }
0x12: {  	s6 =	sadd.s32 $0x50, s6;
	s23 =	sadd.s32 $0x2800, s21;
	[dreg:$0x9] =	wrdreg s24  }
0x13: {  	s1 =	sadd.s32 s4, s1;
	s0 =	sadd.s32 s5, s0;
	[dreg:$0x7] =	wrdreg s6  }
0x14: {  	s5 =	simm.s32 $0x2500;
	[dreg:$0x8] =	wrdreg s23;
	s25 =	sadd.s32 $0xF0, s1  }
0x15: {  	s21 =	simm.s32 $0x1;
	s26 =	sadd.s32 $0x7800, s0;
	[dreg:$0x3] =	wrdreg s25  }
0x16: {  	s24 =	simm.s32 $0xA500;
	s0 =	sadd.s32 $0x5000, s0;
	[dreg:$0xa] =	wrdreg s26  }
0x17: {  	s1 =	sadd.s32 $0xA0, s1;
	s23 =	simm.s32 $0x280;
	[dreg:$0xb] =	wrdreg s0  }
0x18: {  	s6 =	simm.s32 $0x2;
	[dreg:$0x4] =	wrdreg s1;
	s26 =	simm.s32 $0x400  }
0x19: {  	s1 =	simm.s32 $0x10500;
	s0 =	simm.s32 $0x480;
	s25 =	simm.s32 $0x0  }
.LBB2_1:
0x1a: {  	[dreg:$0xc] =	wrdreg s25  }
0x1b: {  	s4 =	rddreg [dreg:$0x5]  }
0x1c: {  	[tilespmem:s2], [sflag:$0x4] =	stream.linear.gather [hbm4b:s4+s2], $0x280, $0x38;
	[tilespmem:$0x14500] =	vst v63  }
0x1d: {  	_ =	swait.ge [sflag:s11], $0x280  }
0x1e: {  	[sflag:s11] =	ssyncset.done $0x0  }
0x1f: {  	[sflag:s11] =	ssyncadd.s32 $0xFFFFFD80  }
0x20: {  	[tilespmem:s13], [sflag:$0x1] =	stream.indirect.gather [hbm4b:s3+s12], $0x40, s2, s12, $0xb8;
	[tilespmem:$0x14500] =	vst v63  }
0x21: {  	_ = 	snop  }
0x22: {  	[tilespmem:s5], [sflag:$0x1] =	stream.indirect.gather [hbm4b:s3+s12], $0x40, s12, s12, $0xb8;
	[tilespmem:$0x14500] =	vst v63  }
0x23: {  	_ = 	snop  }
0x24: {  	[tilespmem:s9], [sflag:$0x1] =	stream.indirect.gather [hbm4b:s3+s12], $0x40, s8, s12, $0xb8;
	[tilespmem:$0x14500] =	vst v63  }
0x25: {  	_ = 	snop  }
0x26: {  	[tilespmem:s14], [sflag:$0x1] =	stream.indirect.gather [hbm4b:s3+s12], $0x40, s10, s12, $0xb8;
	[tilespmem:$0x14500] =	vst v63  }
0x27: {  	_ = 	snop  }
0x28: {  	[tilespmem:s16], [sflag:$0x1] =	stream.indirect.gather [hbm4b:s3+s12], $0x40, s15, s12, $0xb8;
	[tilespmem:$0x14500] =	vst v63  }
0x29: {  	_ =	swait.ge [sflag:s21], $0x2000  }
0x2a: {  	[sflag:s21] =	ssyncset.done $0x0  }
0x2b: {  	[sflag:s21] =	ssyncadd.s32 $0xFFFFE000  }
0x2c: {  	_ =	swait.ge [sflag:s21], $0x2000  }
0x2d: {  	[sflag:s21] =	ssyncset.done $0x0  }
0x2e: {  	[sflag:s21] =	ssyncadd.s32 $0xFFFFE000  }
0x2f: {  	_ =	swait.ge [sflag:s21], $0x2000  }
0x30: {  	[sflag:s21] =	ssyncset.done $0x0  }
0x31: {  	[sflag:s21] =	ssyncadd.s32 $0xFFFFE000  }
0x32: {  	_ =	swait.ge [sflag:s21], $0x2000  }
0x33: {  	[sflag:s21] =	ssyncset.done $0x0  }
0x34: {  	[sflag:s21] =	ssyncadd.s32 $0xFFFFE000  }
0x35: {  	_ =	swait.ge [sflag:s21], $0x2000  }
0x36: {  	[sflag:s21] =	ssyncset.done $0x0  }
0x37: {  	s25 =	rddreg [dreg:$0x6];
	[sflag:s21] =	ssyncadd.s32 $0xFFFFE000  }
0x38: {  	[hbm4b:s25+s22] =	stream.strided.scatter [tilespmem:s13], [sflag:$0x2], $0xA000, s12, s22, $0x38;
	[tilespmem:$0x14500] =	vst v63  }
0x39: {  	s25 =	rddreg [dreg:$0x7]  }
0x3a: {  	[tilespmem:s23], [sflag:$0x4] =	stream.linear.gather [hbm4b:s25+s2], $0x280, $0x38;
	[tilespmem:$0x14500] =	vst v63  }
0x3b: {  	_ =	swait.ge [sflag:s11], $0x280  }
0x3c: {  	[sflag:s11] =	ssyncset.done $0x0  }
0x3d: {  	[sflag:s11] =	ssyncadd.s32 $0xFFFFFD80  }
0x3e: {  	[tilespmem:s24], [sflag:$0x1] =	stream.indirect.gather [hbm4b:s3+s12], $0x40, s23, s12, $0xb8;
	[tilespmem:$0x14500] =	vst v63  }
0x3f: {  	_ = 	snop  }
0x40: {  	[tilespmem:s18], [sflag:$0x1] =	stream.indirect.gather [hbm4b:s3+s12], $0x40, s17, s12, $0xb8;
	[tilespmem:$0x14500] =	vst v63  }
0x41: {  	_ = 	snop  }
0x42: {  	[tilespmem:s20], [sflag:$0x1] =	stream.indirect.gather [hbm4b:s3+s12], $0x40, s19, s12, $0xb8;
	[tilespmem:$0x14500] =	vst v63  }
0x43: {  	_ = 	snop  }
0x44: {  	[tilespmem:s1], [sflag:$0x1] =	stream.indirect.gather [hbm4b:s3+s12], $0x40, s26, s12, $0xb8;
	[tilespmem:$0x14500] =	vst v63  }
0x45: {  	_ = 	snop  }
0x46: {  	[tilespmem:s28], [sflag:$0x1] =	stream.indirect.gather [hbm4b:s3+s12], $0x40, s0, s12, $0xb8;
	[tilespmem:$0x14500] =	vst v63  }
0x47: {  	_ =	swait.ge [sflag:s21], $0x2000  }
0x48: {  	[sflag:s21] =	ssyncset.done $0x0  }
0x49: {  	[sflag:s21] =	ssyncadd.s32 $0xFFFFE000  }
0x4a: {  	_ =	swait.ge [sflag:s21], $0x2000  }
0x4b: {  	[sflag:s21] =	ssyncset.done $0x0  }
0x4c: {  	[sflag:s21] =	ssyncadd.s32 $0xFFFFE000  }
0x4d: {  	_ =	swait.ge [sflag:s21], $0x2000  }
0x4e: {  	[sflag:s21] =	ssyncset.done $0x0  }
0x4f: {  	[sflag:s21] =	ssyncadd.s32 $0xFFFFE000  }
0x50: {  	_ =	swait.ge [sflag:s21], $0x2000  }
0x51: {  	[sflag:s21] =	ssyncset.done $0x0  }
0x52: {  	[sflag:s21] =	ssyncadd.s32 $0xFFFFE000  }
0x53: {  	_ =	swait.ge [sflag:s21], $0x2000  }
0x54: {  	[sflag:s21] =	ssyncset.done $0x0  }
0x55: {  	s25 =	rddreg [dreg:$0x8];
	[sflag:s21] =	ssyncadd.s32 $0xFFFFE000  }
0x56: {  	[hbm4b:s25+s22] =	stream.strided.scatter [tilespmem:s24], [sflag:$0x3], $0xA000, s12, s22, $0x38;
	[tilespmem:$0x14500] =	vst v63  }
0x57: {  	_ =	swait.ge [sflag:s6], $0xA000  }
0x58: {  	s25 =	rddreg [dreg:$0x4];
	[sflag:s6] =	ssyncset.done $0x0  }
0x59: {  	[sflag:s6] =	ssyncadd.s32 $0xFFFF6000;
	s4 =	sadd.s32 $0x0, s25  }
0x5a: {  	[tilespmem:s2], [sflag:$0x4] =	stream.linear.gather [hbm4b:s4+s2], $0x280, $0x38;
	[tilespmem:$0x14500] =	vst v63  }
0x5b: {  	_ =	swait.ge [sflag:s11], $0x280  }
0x5c: {  	[sflag:s11] =	ssyncset.done $0x0  }
0x5d: {  	[sflag:s11] =	ssyncadd.s32 $0xFFFFFD80  }
0x5e: {  	[tilespmem:s13], [sflag:$0x1] =	stream.indirect.gather [hbm4b:s3+s12], $0x40, s2, s12, $0xb8;
	[tilespmem:$0x14500] =	vst v63  }
0x5f: {  	_ = 	snop  }
0x60: {  	[tilespmem:s5], [sflag:$0x1] =	stream.indirect.gather [hbm4b:s3+s12], $0x40, s12, s12, $0xb8;
	[tilespmem:$0x14500] =	vst v63  }
0x61: {  	_ = 	snop  }
0x62: {  	[tilespmem:s9], [sflag:$0x1] =	stream.indirect.gather [hbm4b:s3+s12], $0x40, s8, s12, $0xb8;
	[tilespmem:$0x14500] =	vst v63  }
0x63: {  	_ = 	snop  }
0x64: {  	[tilespmem:s14], [sflag:$0x1] =	stream.indirect.gather [hbm4b:s3+s12], $0x40, s10, s12, $0xb8;
	[tilespmem:$0x14500] =	vst v63  }
0x65: {  	_ = 	snop  }
0x66: {  	[tilespmem:s16], [sflag:$0x1] =	stream.indirect.gather [hbm4b:s3+s12], $0x40, s15, s12, $0xb8;
	[tilespmem:$0x14500] =	vst v63  }
0x67: {  	_ =	swait.ge [sflag:s21], $0x2000  }
0x68: {  	[sflag:s21] =	ssyncset.done $0x0  }
0x69: {  	[sflag:s21] =	ssyncadd.s32 $0xFFFFE000  }
0x6a: {  	_ =	swait.ge [sflag:s21], $0x2000  }
0x6b: {  	[sflag:s21] =	ssyncset.done $0x0  }
0x6c: {  	[sflag:s21] =	ssyncadd.s32 $0xFFFFE000  }
0x6d: {  	_ =	swait.ge [sflag:s21], $0x2000  }
0x6e: {  	[sflag:s21] =	ssyncset.done $0x0  }
0x6f: {  	[sflag:s21] =	ssyncadd.s32 $0xFFFFE000  }
0x70: {  	_ =	swait.ge [sflag:s21], $0x2000  }
0x71: {  	[sflag:s21] =	ssyncset.done $0x0  }
0x72: {  	[sflag:s21] =	ssyncadd.s32 $0xFFFFE000  }
0x73: {  	_ =	swait.ge [sflag:s21], $0x2000  }
0x74: {  	[sflag:s21] =	ssyncset.done $0x0  }
0x75: {  	s14 =	rddreg [dreg:$0xb];
	[sflag:s21] =	ssyncadd.s32 $0xFFFFE000  }
0x76: {  	[hbm4b:s14+s22] =	stream.strided.scatter [tilespmem:s13], [sflag:$0x2], $0xA000, s12, s22, $0x38;
	[tilespmem:$0x14500] =	vst v63  }
0x77: {  	_ =	swait.ge [sflag:s7], $0xA000  }
0x78: {  	s16 =	rddreg [dreg:$0x3];
	[sflag:s7] =	ssyncset.done $0x0  }
0x79: {  	[sflag:s7] =	ssyncadd.s32 $0xFFFF6000;
	s4 =	sadd.s32 $0x0, s16  }
0x7a: {  	[tilespmem:s23], [sflag:$0x4] =	stream.linear.gather [hbm4b:s4+s2], $0x280, $0x38;
	[tilespmem:$0x14500] =	vst v63  }
0x7b: {  	_ =	swait.ge [sflag:s11], $0x280  }
0x7c: {  	[sflag:s11] =	ssyncset.done $0x0  }
0x7d: {  	[sflag:s11] =	ssyncadd.s32 $0xFFFFFD80  }
0x7e: {  	[tilespmem:s24], [sflag:$0x1] =	stream.indirect.gather [hbm4b:s3+s12], $0x40, s23, s12, $0xb8;
	[tilespmem:$0x14500] =	vst v63  }
0x7f: {  	_ = 	snop  }
0x80: {  	[tilespmem:s18], [sflag:$0x1] =	stream.indirect.gather [hbm4b:s3+s12], $0x40, s17, s12, $0xb8;
	[tilespmem:$0x14500] =	vst v63  }
0x81: {  	_ = 	snop  }
0x82: {  	[tilespmem:s20], [sflag:$0x1] =	stream.indirect.gather [hbm4b:s3+s12], $0x40, s19, s12, $0xb8;
	[tilespmem:$0x14500] =	vst v63  }
0x83: {  	_ = 	snop  }
0x84: {  	[tilespmem:s1], [sflag:$0x1] =	stream.indirect.gather [hbm4b:s3+s12], $0x40, s26, s12, $0xb8;
	[tilespmem:$0x14500] =	vst v63  }
0x85: {  	_ = 	snop  }
0x86: {  	[tilespmem:s28], [sflag:$0x1] =	stream.indirect.gather [hbm4b:s3+s12], $0x40, s0, s12, $0xb8;
	[tilespmem:$0x14500] =	vst v63  }
0x87: {  	_ =	swait.ge [sflag:s21], $0x2000  }
0x88: {  	[sflag:s21] =	ssyncset.done $0x0  }
0x89: {  	[sflag:s21] =	ssyncadd.s32 $0xFFFFE000  }
0x8a: {  	_ =	swait.ge [sflag:s21], $0x2000  }
0x8b: {  	[sflag:s21] =	ssyncset.done $0x0  }
0x8c: {  	[sflag:s21] =	ssyncadd.s32 $0xFFFFE000  }
0x8d: {  	_ =	swait.ge [sflag:s21], $0x2000  }
0x8e: {  	s25 =	simm.s32 $0x8500;
	[sflag:s21] =	ssyncset.done $0x0  }
0x8f: {  	s15 =	simm.s32 $0x2500;
	s10 =	sadd.s32 $0x5000, s14;
	[sflag:s21] =	ssyncadd.s32 $0xFFFFE000  }
0x90: {  	s16 =	simm.s32 $0x12500;
	s4 =	simm.s32 $0xA0;
	_ =	swait.ge [sflag:s21], $0x2000  }
0x91: {  	s17 =	simm.s32 $0x4500;
	s18 =	simm.s32 $0x180;
	[sflag:s21] =	ssyncset.done $0x0  }
0x92: {  	s20 =	simm.s32 $0x200;
	s19 =	simm.s32 $0x6500;
	[sflag:s21] =	ssyncadd.s32 $0xFFFFE000  }
0x93: {  	s26 =	simm.s32 $0x300;
	s1 =	simm.s32 $0x10500;
	_ =	swait.ge [sflag:s21], $0x2000  }
0x94: {  	s0 =	simm.s32 $0x480;
	[sflag:s21] =	ssyncset.done $0x0;
	s9 =	rddreg [dreg:$0xa]  }
0x95: {  	s28 =	simm.s32 $0xC500;
	[sflag:s21] =	ssyncadd.s32 $0xFFFFE000;
	s5 =	sadd.s32 $0x5000, s9  }
.LBB2_2:
0x96: {  	[hbm4b:s9+s22] =	stream.strided.scatter [tilespmem:s24], [sflag:$0x3], $0xA000, s12, s22, $0x38;
	[tilespmem:$0x14500] =	vst v63  }
0x97: {  	_ =	swait.ge [sflag:s6], $0xA000  }
0x98: {  	s8 =	smov.u32 s4;
	s14 =	rddreg [dreg:$0x4];
	[sflag:s6] =	ssyncset.done $0x0  }
0x99: {  	[sflag:s6] =	ssyncadd.s32 $0xFFFF6000;
	s14 =	sadd.s32 s8, s14  }
0x9a: {  	[tilespmem:s2], [sflag:$0x4] =	stream.linear.gather [hbm4b:s14+s2], $0x280, $0x38;
	[tilespmem:$0x14500] =	vst v63  }
0x9b: {  	_ =	swait.ge [sflag:s11], $0x280  }
0x9c: {  	[sflag:s11] =	ssyncset.done $0x0  }
0x9d: {  	[sflag:s11] =	ssyncadd.s32 $0xFFFFFD80  }
0x9e: {  	[tilespmem:s13], [sflag:$0x1] =	stream.indirect.gather [hbm4b:s3+s12], $0x40, s2, s12, $0xb8;
	[tilespmem:$0x14500] =	vst v63  }
0x9f: {  	_ = 	snop  }
0xa0: {  	[tilespmem:s15], [sflag:$0x1] =	stream.indirect.gather [hbm4b:s3+s12], $0x40, s12, s12, $0xb8;
	[tilespmem:$0x14500] =	vst v63  }
0xa1: {  	s14 =	simm.s32 $0x100  }
0xa2: {  	[tilespmem:s17], [sflag:$0x1] =	stream.indirect.gather [hbm4b:s3+s12], $0x40, s14, s12, $0xb8;
	[tilespmem:$0x14500] =	vst v63  }
0xa3: {  	_ = 	snop  }
0xa4: {  	[tilespmem:s19], [sflag:$0x1] =	stream.indirect.gather [hbm4b:s3+s12], $0x40, s18, s12, $0xb8;
	[tilespmem:$0x14500] =	vst v63  }
0xa5: {  	_ = 	snop  }
0xa6: {  	[tilespmem:s25], [sflag:$0x1] =	stream.indirect.gather [hbm4b:s3+s12], $0x40, s20, s12, $0xb8;
	[tilespmem:$0x14500] =	vst v63  }
0xa7: {  	_ =	swait.ge [sflag:s21], $0x2000  }
0xa8: {  	[sflag:s21] =	ssyncset.done $0x0  }
0xa9: {  	[sflag:s21] =	ssyncadd.s32 $0xFFFFE000  }
0xaa: {  	_ =	swait.ge [sflag:s21], $0x2000  }
0xab: {  	[sflag:s21] =	ssyncset.done $0x0  }
0xac: {  	[sflag:s21] =	ssyncadd.s32 $0xFFFFE000  }
0xad: {  	_ =	swait.ge [sflag:s21], $0x2000  }
0xae: {  	[sflag:s21] =	ssyncset.done $0x0  }
0xaf: {  	[sflag:s21] =	ssyncadd.s32 $0xFFFFE000  }
0xb0: {  	_ =	swait.ge [sflag:s21], $0x2000  }
0xb1: {  	[sflag:s21] =	ssyncset.done $0x0  }
0xb2: {  	[sflag:s21] =	ssyncadd.s32 $0xFFFFE000  }
0xb3: {  	_ =	swait.ge [sflag:s21], $0x2000  }
0xb4: {  	[sflag:s21] =	ssyncset.done $0x0  }
0xb5: {  	[sflag:s21] =	ssyncadd.s32 $0xFFFFE000  }
0xb6: {  	[hbm4b:s10+s22] =	stream.strided.scatter [tilespmem:s13], [sflag:$0x2], $0xA000, s12, s22, $0x38;
	[tilespmem:$0x14500] =	vst v63  }
0xb7: {  	_ =	swait.ge [sflag:s7], $0xA000  }
0xb8: {  	s14 =	rddreg [dreg:$0x3];
	[sflag:s7] =	ssyncset.done $0x0  }
0xb9: {  	[sflag:s7] =	ssyncadd.s32 $0xFFFF6000;
	s8 =	sadd.s32 s8, s14  }
0xba: {  	[tilespmem:s23], [sflag:$0x4] =	stream.linear.gather [hbm4b:s8+s2], $0x280, $0x38;
	[tilespmem:$0x14500] =	vst v63  }
0xbb: {  	_ =	swait.ge [sflag:s11], $0x280  }
0xbc: {  	[sflag:s11] =	ssyncset.done $0x0  }
0xbd: {  	[sflag:s11] =	ssyncadd.s32 $0xFFFFFD80  }
0xbe: {  	[tilespmem:s24], [sflag:$0x1] =	stream.indirect.gather [hbm4b:s3+s12], $0x40, s23, s12, $0xb8;
	[tilespmem:$0x14500] =	vst v63  }
0xbf: {  	_ = 	snop  }
0xc0: {  	[tilespmem:s28], [sflag:$0x1] =	stream.indirect.gather [hbm4b:s3+s12], $0x40, s26, s12, $0xb8;
	[tilespmem:$0x14500] =	vst v63  }
0xc1: {  	_ = 	snop  }
0xc2: {  	[tilespmem:s30], [sflag:$0x1] =	stream.indirect.gather [hbm4b:s3+s12], $0x40, s29, s12, $0xb8;
	[tilespmem:$0x14500] =	vst v63  }
0xc3: {  	_ = 	snop  }
0xc4: {  	[tilespmem:s1], [sflag:$0x1] =	stream.indirect.gather [hbm4b:s3+s12], $0x40, s31, s12, $0xb8;
	[tilespmem:$0x14500] =	vst v63  }
0xc5: {  	_ = 	snop  }
0xc6: {  	[tilespmem:s16], [sflag:$0x1] =	stream.indirect.gather [hbm4b:s3+s12], $0x40, s0, s12, $0xb8;
	[tilespmem:$0x14500] =	vst v63  }
0xc7: {  	_ =	swait.ge [sflag:s21], $0x2000  }
0xc8: {  	[sflag:s21] =	ssyncset.done $0x0  }
0xc9: {  	[sflag:s21] =	ssyncadd.s32 $0xFFFFE000  }
0xca: {  	_ =	swait.ge [sflag:s21], $0x2000  }
0xcb: {  	[sflag:s21] =	ssyncset.done $0x0  }
0xcc: {  	[sflag:s21] =	ssyncadd.s32 $0xFFFFE000  }
0xcd: {  	_ =	swait.ge [sflag:s21], $0x2000  }
0xce: {  	[sflag:s21] =	ssyncset.done $0x0  }
0xcf: {  	[sflag:s21] =	ssyncadd.s32 $0xFFFFE000  }
0xd0: {  	p0 =	sne.s32 s4, $0xB40;
	_ =	swait.ge [sflag:s21], $0x2000  }
.Ltmp0:
0xd1: {  	[sflag:s21] =	ssyncset.done $0x0;
	(pc) =	sbr.rel @p0 .LBB2_2-.Ltmp0, $4  }
0xd2: {  	[sflag:s21] =	ssyncadd.s32 $0xFFFFE000  }
0xd3: {  	_ =	swait.ge [sflag:s21], $0x2000  }
0xd4: {  	s9 =	smov.u32 s5;
	s4 =	sadd.s32 $0xA0, s4;
	[sflag:s21] =	ssyncset.done $0x0  }
0xd5: {  	s5 =	sadd.s32 $0x5000, s5;
	s10 =	sadd.s32 $0x5000, s10;
	[sflag:s21] =	ssyncadd.s32 $0xFFFFE000  }
0xd6: {  	[hbm4b:s9+s22] =	stream.strided.scatter [tilespmem:s24], [sflag:$0x3], $0xA000, s12, s22, $0x38;
	[tilespmem:$0x14500] =	vst v63  }
0xd7: {  	_ =	swait.ge [sflag:s6], $0xA000  }
0xd8: {  	[sflag:s6] =	ssyncset.done $0x0  }
0xd9: {  	[sflag:s6] =	ssyncadd.s32 $0xFFFF6000  }
0xda: {  	_ =	swait.ge [sflag:s7], $0xA000  }
0xdb: {  	s25 =	rddreg [dreg:$0xc]  }
0xdc: {  	s5 =	simm.s32 $0x2500;
	s4 =	rddreg [dreg:$0x9];
	s25 =	sadd.s32 $0x1, s25  }
0xdd: {  	s8 =	simm.s32 $0x100;
	s9 =	simm.s32 $0x4500;
	p0 =	sne.s32 s25, s4  }
.Ltmp1:
0xde: {  	s10 =	simm.s32 $0x180;
	s14 =	simm.s32 $0x6500;
	(pc) =	sbr.rel @p0 .LBB2_1-.Ltmp1, $4  }
0xdf: {  	s15 =	simm.s32 $0x200;
	s16 =	simm.s32 $0x8500;
	s17 =	simm.s32 $0x300  }
0xe0: {  	s18 =	simm.s32 $0xC500;
	s19 =	simm.s32 $0x380;
	s20 =	simm.s32 $0xE500  }
0xe1: {  	s26 =	simm.s32 $0x400;
	s1 =	simm.s32 $0x10500;
	[sflag:s7] =	ssyncset.done $0x0  }
0xe2: {  	s0 =	simm.s32 $0x480;
	s28 =	simm.s32 $0x12500;
	[sflag:s7] =	ssyncadd.s32 $0xFFFF6000  }
0xe3: {  	_ =	sfence.sel $0x180000  }
0xe4: {  	[bflag:$0x0] =	sbarrier.arrive $0xFFFF  }
0xe5: {  	_ =	strace $0x90000047  }
0xe6: {  	s0 =	stileid.u32;
	[bflag:$0x2] =	sbarrier.arrive $0xFFFF  }
0xe7: {  	p0 =	sne.s32 s0, $0x0;
	s0 =	rddreg [dreg:$0x2]  }
0xe8: {  	s0 =	sadd.s32 @!p0 $0x100000, s0  }
0xe9: {  	[sflag:s0] =	ssyncadd.tile.s32 @!p0 $0x1;
	_ =	shalt  }
.Lfunc_end2:
_tile_overlayer_lowered:
.L_overlay_start_2:
0xea: {  	(tag) =	ssettag $0x2  }
0xeb: {  	s0 =	rddreg [dreg:$0x0];
	s2 =	stileid.u32  }
0xec: {  	s1 =	rddreg [dreg:$0x1];
	p0 =	sne.s32 s2, $0x0  }
0xed: {  	s3 =	rddreg [dreg:$0x2];
	[bflag:$0x3] =	sbarrier.arrive $0xFFFF;
	s2 =	simm.s32 @!p0 $0x1C04  }
0xee: {  	[timem:s3], [sflag:s2] =	dma.local @!p0 [hbm:s0], s1  }
0xef: {  	s0 =	simm.s32 @!p0 $0x4  }
0xf0: {  	_ =	swait.ge @!p0 [sflag:s0], s1  }
0xf1: {  	s1 =	ssub.s32 @!p0 $0x0, s1;
	[sflag:s0] =	ssyncset.done @!p0 $0x0  }
0xf2: {  	[sflag:s0] =	ssyncadd.s32 @!p0 s1  }
0xf3: {  	[bflag:$0x3] =	sbarrier.arrive $0xFFFF  }
0xf4: {  	_ =	shalt  }

// kernel: sparse-core-data-format-call.cloned.1.call-start
scs
called_computation_lowered:
.L_overlay_start_0:
0x0: {  	s2 =	sld [smem:$0x3FD9]  }
0x1: {  	s3 =	sld [smem:$0x3FFE];
	_ =	sdelay $0x1  }
0x2: {  	s1 =	srdreg.scid  }
0x3: {  	s0 =	sand.u32 $0x1, s1  }
0x4: {  	s18 =	sshll.u32 s0, $0xA;
	s2 =	sadd.s32 s3, s2  }
0x5: {  	s2 =	sadd.s32 s2, s18  }
0x6: {  	[smem:$0x3FC6] =	sst s2  }
0x7: {  	_ = 	snop  }
0x8: {  	s2 =	sld [smem:$0x3FD0];
	(tm) =	ssettm $0x1  }
0x9: {  	s19 =	sld [smem:$0x3FFB];
	_ =	sdelay $0x3  }
0xa: {  	_ =	strace s19  }
0xb: {  	s3 =	sld [smem:$0x3FFC];
	_ =	sdelay $0x3  }
0xc: {  	_ =	strace s3  }
0xd: {  	s3 =	sld [smem:$0x3FFD];
	_ =	sdelay $0x3  }
0xe: {  	_ =	strace s3  }
0xf: {  	_ =	strace $0x8FFFFFFF  }
0x10: {  	s20 =	sld [smem:$0x3FDB];
	_ =	sdelay $0x1  }
0x11: {  	s4 =	simm.s32 $_scs_section_size  }
0x12: {  	s5 =	simm.s32 $_size__tile_overlayer_lowered;
	s6 =	simm.s32 $_tile_overlayer_lowered  }
0x13: {  	s23 =	simm.s32 $0x1BFF;
	s22 =	sshll.u32 s6, $0x1;
	s3 =	sadd.s32 s4, s20  }
0x14: {  	s7 =	simm.s32 $0x0;
	s21 =	sshll.u32 s5, $0x1;
	s5 =	sadd.s32 s22, s3  }
0x15: {  	[timem:s7], [sflag:s23] =	dma.local [hbm:s5], s21  }
0x16: {  	_ =	swait.ge [sflag:s23], s21  }
0x17: {  	s4 =	ssub.s32 $0x0, s21;
	[sflag:s23] =	ssyncset.done $0x0  }
0x18: {  	[sflag:s23] =	ssyncadd.s32 s4;
	_ =	sdelay $0x1  }
0x19: {  	s24 =	simm.s32 $0x1B8B  }
0x1a: {  	_ =	swait.ge [sflag:s24], $0x1  }
0x1b: {  	[sflag:s24] =	ssyncset.done $0x0  }
0x1c: {  	s26 =	simm.s32 $0x1B8E;
	s25 =	sld [smem:$0x3FFE];
	[sflag:s24] =	ssyncadd.s32 $0xFFFFFFFF  }
0x1d: {  	s27 =	simm.s32 $execute0_lowered;
	[smem:$0x3FD2] =	sst s26  }
0x1e: {  	s5 =	sshll.u32 s27, $0x1;
	_ =	strace $0x80000049;
	[dreg:$0x1] =	wrdreg $0xFFFFFFFF  }
0x1f: {  	s28 =	simm.s32 $_size_execute0_lowered;
	s3 =	sadd.s32 s3, s5;
	[dreg:$0x0] =	wrdreg $0x0  }
0x20: {  	s5 =	sshll.u32 s28, $0x1;
	[dreg:$0x2] =	wrdreg s3  }
0x21: {  	[dreg:$0x3] =	wrdreg s5  }
0x22: {  	[dreg:$0x4] =	wrdreg $0xC0  }
0x23: {  	_ =	task [dreg:s7], $0x5FFFF  }
0x24: {  	[dreg:$0x1] =	wrdreg $0xFFFFFFFF  }
0x25: {  	[dreg:$0x0] =	wrdreg $0x60  }
0x26: {  	[dreg:$0x2] =	wrdreg s25  }
0x27: {  	[dreg:$0x3] =	wrdreg s2  }
0x28: {  	[dreg:$0x4] =	wrdreg $0x9  }
0x29: {  	_ =	task.clear_ibuf [dreg:s7], $0x5FFFF;
	_ =	strace $0x90000049  }
0x2a: {  	s29 =	simm.s32 $0x9;
	_ =	strace $0x8000004B  }
0x2b: {  	_ =	swait.ge [sflag:s29], $0x1  }
0x2c: {  	[sflag:s29] =	ssyncadd.s32 $0xFFFFFFFF  }
0x2d: {  	_ =	strace $0x9000004B  }
0x2e: {  	_ =	sfence  }
0x2f: {  	s30 =	sld [smem:$0x0];
	_ =	sdelay $0x2  }
0x30: {  	s31 =	sshll.u32 s1, $0xD;
	s1 =	sshrl.u32 s1, $0x2  }
0x31: {  	s3 =	sand.u32 $0x4000, s31;
	s1 =	sadd.s32 s1, s30  }
0x32: {  	s0 =	sor.u32 s3, s0;
	s1 =	sshll.u32 s1, $0x11  }
0x33: {  	s0 =	sor.u32 s1, s0  }
0x34: {  	s0 =	sadd.s32 $0x8F2B, s0  }
0x35: {  	[sflag:s0] =	ssyncadd.remote.s32 $0x1  }
0x36: {  	_ =	sfence.sel $0xFFFF  }
0x37: {  	[dreg:$0x0] =	wrdreg $0xFFFFFFFF;
	(pc) =	sbr.abs _section_cstart, $3  }
0x38: {  	[dreg:$0x1] =	wrdreg $0xFFFFFFFF  }
0x39: {  	_ =	task.clear_ibuf [dreg:s7], $0x2FFFF;
	_ =	strace $0x9FFFFFFF  }
0x3a: {  	(tm) =	ssettm $0x7FFFFFFF  }
0x3b: {  	_ =	shalt  }
tec
execute0_lowered:
.L_overlay_start_1:
0x0: {  	(tag) =	ssettag $0x1  }
0x1: {  	s0 =	srdreg.scid  }
0x2: {  	s1 =	sshll.u32 s0, $0x4  }
0x3: {  	s0 =	stileid.u32;
	s1 =	sand.u32 $0x10, s1  }
0x4: {  	s1 =	sor.u32 s0, s1  }
0x5: {  	s6 =	rddreg [dreg:$0x0];
	s4 =	simm.s32 $0x1;
	s2 =	sshll.u32 s1, $0x7  }
0x6: {  	s7 =	simm.s32 $0x2;
	s12 =	simm.s32 $0x0;
	s1 =	ssub.s32 $0x1000, s2  }
0x7: {  	s8 =	simm.s32 $0x8000;
	s13 =	simm.s32 $0x0;
	s3 =	sand.u32 $0xF80, s1  }
0x8: {  	s9 =	simm.s32 $0x0;
	s5 =	sshrl.u32 s1, $0xC;
	p0 =	sne.s32 s3, $0x0  }
.Ltmp0:
0x9: {  	s1 =	rddreg [dreg:$0x2];
	s4 =	simm.s32 @!p0 $0x0;
	(pc) =	sbr.rel .LBB1_1-.Ltmp0, $4  }
0xa: {  	s11 =	simm.s32 $0x0;
	s3 =	rddreg [dreg:$0x1];
	s5 =	sadd.s32 s4, s5  }
0xb: {  	_ =	strace $0x8000004A;
	s4 =	simm.s32 $0x1;
	s5 =	smul.u32 $0xC8, s5  }
0xc: {  	s6 =	sadd.s32 $0xA00, s6;
	s10 =	smov.u32 s2;
	[sflag:s4] =	ssyncpa.u1 $0x0  }
0xd: {  	p0 =	por $0x0, $0x0;
	[sflag:s7] =	ssyncpa.u1 $0x0;
	s7 =	sor.u32 $0x1, s5  }
.LBB1_4:
0xe: {  	s16 =	sshll.u32 s13, $0x3;
	s17 =	sand.u32 $0x78, s13  }
0xf: {  	s30 =	sand.u32 $0x7E00, s13;
	s12 =	sshll.u32 s12, $0xF;
	s16 =	sand.u32 $0xC00, s16  }
0x10: {  	[tilespmem:s15+$0x810 ss:$0x81] =	vst.msk $0xffff, v2;
	s31 =	sand.u32 $0x7, s13;
	s16 =	sor.u32 s17, s16;
	s17 =	sadd.s32 s3, s30  }
0x11: {  	[tilespmem:s15+$0x1020 ss:$0x81] =	vst.msk $0xffff, v0;
	s13 =	sshll.u32 s31, $0x12;
	s12 =	sadd.s32 s12, s17;
	s16 =	sshrl.u32 s16, $0x3  }
0x12: {  	[tilespmem:s15+$0x0 ss:$0x81] =	vst.msk $0xffff, v1;
	s13 =	sor.u32 $0x400, s13;
	s12 =	sadd.s32 s16, s12  }
0x13: {  	[hbm4b:s12+s13] =	stream.strided.scatter [tilespmem:s14], [sflag:$0x2], $0x2000, s8, s13, $0x20;
	[tilespmem:$0x8080] =	vst v63  }
.LBB1_5:
0x14: {  	s14 =	sadd.s32 $0x1, s9  }
0x15: {  	s12 =	sadd.s32 $0x1000, s10;
	s16 =	smov.u32 s10;
	p2 =	sgt.s32 s14, $0xC7  }
0x16: {  	s16 =	smov.u32 @p2 s12  }
0x17: {  	s14 =	simm.s32 @p2 $0x0;
	p2 =	sgt.s32 s16, $0xFFF  }
0x18: {  	s16 =	smov.u32 @p2 s2;
	p2 =	sne.s32 s11, s7  }
.Ltmp1:
0x19: {  	p1 =	slt.u32 s11, $0x2;
	(pc) =	sbr.rel @!p2 .LBB1_6-.Ltmp1, $4  }
0x1a: {  	s15 =	simm.s32 @!p1 $0x2  }
0x1b: {  	s13 =	smov.u32 s10;
	p0 =	por !p0, !p0;
	_ =	swait.ge @!p1 [sflag:s15], $0x2000  }
0x1c: {  	s12 =	smov.u32 s9;
	[sflag:s15] =	ssyncset.done @!p1 $0x0;
	s9 =	smov.u32 s14  }
0x1d: {  	s11 =	sadd.s32 $0x1, s11;
	[sflag:s15] =	ssyncadd.s32 @!p1 $0xFFFFE000;
	s10 =	smov.u32 s16  }
.LBB1_1:
0x1e: {  	p1 =	sge.u32 s11, s5  }
0x1f: {  	s14 =	sand.u32 @!p1 $0x1FFFFFF, s9  }
0x20: {  	s15 =	smulhi.u32 @!p1 $0x147AE15, s14;
	_ =	sdelay $0x1  }
0x21: {  	s15 =	smul.u32 @!p1 $0xC8, s15  }
0x22: {  	s16 =	sxor.u32 @!p1 $0xFFFFFFFF, s11;
	s17 =	smul.u32 @!p1 $0xC80, s10  }
0x23: {  	s31 =	sadd.s32 $0xFFFFFFFF, s11;
	s16 =	sshll.u32 @!p1 s16, $0xD;
	s14 =	ssub.s32 @!p1 s14, s15  }
0x24: {  	s15 =	sand.u32 @!p1 $0x2000, s16;
	s16 =	sadd.s32 @!p1 s6, s17;
	s14 =	sshll.u32 @!p1 s14, $0x4  }
0x25: {  	s17 =	simm.s32 @!p1 $0x6400;
	s14 =	sadd.s32 @!p1 s14, s16;
	s16 =	simm.s32 @!p1 $0x40  }
0x26: {  	[tilespmem:s15], [sflag:$0x1] =	stream.strided.gather @!p1 [hbm4b:s14+s16], $0x2000, s17, s16, $0x38;
	[tilespmem:$0x8080] =	vst v63  }
0x27: {  	p1 =	sge.u32 s31, s5  }
.Ltmp2:
0x28: {  	_ = 	snop;
	(pc) =	sbr.rel @p1 .LBB1_5-.Ltmp2, $1  }
0x29: {  	_ =	sdelay $0x3  }
0x2a: {  	s14 =	simm.s32 $0x1  }
0x2b: {  	_ =	swait.ge [sflag:s4], $0x2000;
	s14 =	simm.s32 @!p0 $0x0  }
0x2c: {  	[sflag:s4] =	ssyncset.done $0x0;
	s15 =	sshll.u32 s14, $0xD  }
0x2d: {  	[sflag:s4] =	ssyncadd.s32 $0xFFFFE000;
	s18 =	sor.u32 $0x20, s15  }
0x2e: {  	s14 =	smul.u32 $0x8100, s14;
	v3 =	vld [tilespmem:s18+$0x10]  }
0x2f: {  	s30 =	sand.u32 $0x1, s11;
	v2 =	vld [tilespmem:s18+$0xFFFFFFF0]  }
0x30: {  	s15 =	smul.u32 $0x8100, s30;
	s14 =	sshrl.u32 s14, $0x2;
	v0 =	vld [tilespmem:s18+$0x0]  }
0x31: {  	v1 =	vld [tilespmem:s18+$0xFFFFFFE0];
	s16 =	sor.u32 $0x4000, s14  }
0x32: {  	s31 =	sshrl.u32 s15, $0x2;
	s15 =	sadd.s32 $0x0, s16  }
0x33: {  	s17 =	simm.s32 $0x4;
	s18 =	sadd.s32 $0x40, s18;
	s14 =	sor.u32 $0x4000, s31;
	[tilespmem:s15+$0x1830 ss:$0x81] =	vst.msk $0xffff, v3  }
.LBB1_3:
0x34: {  	v3 =	vld [tilespmem:s18+$0x10];
	p1 =	sne.s32 s17, $0x1FC;
	[tilespmem:s15+$0x810 ss:$0x81] =	vst.msk $0xffff, v2;
	s19 =	smov.u32 s17;
	s17 =	sadd.s32 $0x4, s17  }
.Ltmp3:
0x35: {  	v2 =	vld [tilespmem:s18+$0xFFFFFFF0];
	[tilespmem:s15+$0x1020 ss:$0x81] =	vst.msk $0xffff, v0;
	(pc) =	sbr.rel @p1 .LBB1_3-.Ltmp3, $4  }
0x36: {  	v0 =	vld [tilespmem:s18+$0x0];
	[tilespmem:s15+$0x0 ss:$0x81] =	vst.msk $0xffff, v1  }
0x37: {  	s15 =	sshra.s32 s19, $0x2;
	v1 =	vld [tilespmem:s18+$0xFFFFFFE0]  }
0x38: {  	s15 =	sadd.s32 s15, s16  }
0x39: {  	s18 =	sadd.s32 $0x40, s18;
	[tilespmem:s15+$0x1830 ss:$0x81] =	vst.msk $0xffff, v3  }
.Ltmp4:
0x3a: {  	_ = 	snop;
	(pc) =	sbr.rel .LBB1_4-.Ltmp4, $1  }
0x3b: {  	_ =	sdelay $0x3  }
.LBB1_6:
0x3c: {  	_ =	sfence.sel $0x180000  }
0x3d: {  	s2 =	simm.s32 $0x1;
	[bflag:$0x0] =	sbarrier.arrive $0xFFFF  }
0x3e: {  	s31 =	simm.s32 $0x2;
	[sflag:s2] =	ssyncpa.u1 $0x1  }
0x3f: {  	[sflag:s31] =	ssyncpa.u1 $0x1  }
0x40: {  	p0 =	sne.s32 s0, $0x0;
	_ =	strace $0x9000004A  }
0x41: {  	s0 =	sadd.s32 @!p0 $0x100000, s1;
	[bflag:$0x2] =	sbarrier.arrive $0xFFFF  }
0x42: {  	[sflag:s0] =	ssyncadd.tile.s32 @!p0 $0x1;
	_ =	shalt  }
.Lfunc_end1:
_tile_overlayer_lowered:
.L_overlay_start_2:
0x43: {  	(tag) =	ssettag $0x2  }
0x44: {  	s0 =	rddreg [dreg:$0x0];
	s2 =	stileid.u32  }
0x45: {  	s1 =	rddreg [dreg:$0x1];
	p0 =	sne.s32 s2, $0x0  }
0x46: {  	s3 =	rddreg [dreg:$0x2];
	[bflag:$0x3] =	sbarrier.arrive $0xFFFF;
	s2 =	simm.s32 @!p0 $0x1C01  }
0x47: {  	[timem:s3], [sflag:s2] =	dma.local @!p0 [hbm:s0], s1  }
0x48: {  	s0 =	simm.s32 @!p0 $0x1  }
0x49: {  	_ =	swait.ge @!p0 [sflag:s0], s1  }
0x4a: {  	s1 =	ssub.s32 @!p0 $0x0, s1;
	[sflag:s0] =	ssyncset.done @!p0 $0x0  }
0x4b: {  	[sflag:s0] =	ssyncadd.s32 @!p0 s1  }
0x4c: {  	[bflag:$0x3] =	sbarrier.arrive $0xFFFF  }
0x4d: {  	_ =	shalt  }

</sc_bundles>
